<compile_context>
chip_gen: v7x
topology: tpu7x:2x2x1
jax: 0.10.2.dev20260603
libtpu: 0.0.44.dev20260713+nightly
codegen_flags: <defaults>
</compile_context>

<pallas_src>
import functools

import jax
import jax.numpy as jnp
from jax import lax
from jax.experimental import pallas as pl
from jax.experimental.pallas import tpu as pltpu
from jax.experimental.pallas import tpu_sc as plsc

_R, _S = 4096, 200
_D = 64
_B = _R * _S
_NC, _NS = 2, 16
_NW = _NC * _NS
_BPW = _B // _NW
_CHUNK = 128
_K = 1
_GROW = _K * _CHUNK
_NG = _BPW // _GROW
_NBUF = 8
_H = _NBUF // 2
_NROUND = _NG // _NBUF

_mesh = plsc.VectorSubcoreMesh(core_axis_name="c", subcore_axis_name="s")


@functools.partial(
    pl.kernel,
    mesh=_mesh,
    out_type=jax.ShapeDtypeStruct((_B, _D), jnp.float32),
    scratch_types=[
        pltpu.SemaphoreType.DMA,
        pltpu.VMEM((_BPW,), jnp.int32),
        [pltpu.VMEM((_GROW, _D), jnp.float32)] * _NBUF,
        [pltpu.SemaphoreType.DMA] * _NBUF,
        [pltpu.SemaphoreType.DMA] * _NBUF,
    ],
    compiler_params=pltpu.CompilerParams(use_tc_tiling_on_sc=False),
)
def _gather_sc(idx_hbm, table_hbm, out_hbm, isem, idx_v, bufs, gsems, osems):
    wid = lax.axis_index("s") * _NC + lax.axis_index("c")
    base = wid * _BPW
    _head = _H * _GROW
    pltpu.sync_copy(idx_hbm.at[pl.ds(base, _head)], idx_v.at[pl.ds(0, _head)])
    rest = pltpu.make_async_copy(
        idx_hbm.at[pl.ds(base + _head, _BPW - _head)],
        idx_v.at[pl.ds(_head, _BPW - _head)],
        isem,
    )
    rest.start()

    def fire_g(bi, grp):
        for b in range(_K):
            off = grp * _GROW + b * _CHUNK
            pltpu.async_copy(
                table_hbm.at[idx_v.at[pl.ds(off, _CHUNK)]],
                bufs[bi].at[pl.ds(b * _CHUNK, _CHUNK)],
                gsems[bi],
            )

    def wait_g(bi):
        pltpu.make_async_copy(
            out_hbm.at[pl.ds(0, _GROW)], bufs[bi], gsems[bi]
        ).wait()

    def fire_o(bi, grp):
        pltpu.async_copy(
            bufs[bi], out_hbm.at[pl.ds(base + grp * _GROW, _GROW)], osems[bi]
        )

    def wait_o(bi):
        pltpu.make_async_copy(
            bufs[bi], out_hbm.at[pl.ds(0, _GROW)], osems[bi]
        ).wait()

    for bi in range(_H):
        fire_g(bi, bi)

    rest.wait()

    for bi in range(_NBUF):
        wait_g(bi)
        fire_o(bi, bi)
        pj = (bi + _H) % _NBUF
        if bi >= _H:
            wait_o(pj)
        fire_g(pj, bi + _H)

    def round_body(r, carry):
        for bi in range(_NBUF):
            grp = r * _NBUF + bi
            pj = (bi + _H) % _NBUF
            wait_g(bi)
            fire_o(bi, grp)
            wait_o(pj)
            fire_g(pj, grp + _H)
        return carry

    lax.fori_loop(1, _NROUND - 1, round_body, 0)

    r = _NROUND - 1
    for bi in range(_NBUF):
        grp = r * _NBUF + bi
        wait_g(bi)
        fire_o(bi, grp)
        if bi < _NBUF - _H:
            pj = (bi + _H) % _NBUF
            wait_o(pj)
            fire_g(pj, grp + _H)
    for bi in range(_NBUF):
        wait_o(bi)


def kernel(decimal_tensor, B):
    idx = decimal_tensor.reshape(-1).astype(jnp.int32)
    out = _gather_sc(idx, B)
    return out.reshape(_R, _S, _D)

# --- scband reference (transcript-rebuilt; emitter-appended) ---
"""Pipeline reference for scband-decimalto-binary-45354854645956 (READ-ONLY COPY).

The authoritative reference and input builder live on the scoring server;
editing this copy changes nothing except your own understanding.
"""

import jax, jax.numpy as jnp
import numpy as np

def setup_inputs(seed: int = 0) -> dict:
    key = jax.random.key(seed)
    k1, k2 = jax.random.split(key)
    decimal_tensor = jax.random.randint(k1, (4096, 200), 0, 100000, dtype=jnp.int64)
    B = jax.random.normal(k2, (100000, 64), dtype=jnp.float32)
    return {"decimal_tensor": decimal_tensor, "B": B}

def reference(decimal_tensor, B):
    # Faithful translation of DecimaltoBinary.forward: codebook row gather
    Binary_output = jnp.take(B, decimal_tensor, axis=0)
    return Binary_output

if __name__ == "__main__":
    import jax
    _d = setup_inputs()
    print(jax.jit(kernel)(*tuple(_d.values())))

</pallas_src>

<mosaic_0001>
#map = affine_map<(d0, d1) -> (0)>
#map1 = affine_map<(d0, d1) -> (0, 0)>
module attributes {stable_mosaic.version = 14 : i64} {
  func.func @_gather_sc(%arg0: i32, %arg1: i32, %arg2: memref<819200xi32, #tpu.memory_space<hbm>>, %arg3: memref<100000x64xf32, #tpu.memory_space<hbm>>, %arg4: memref<819200x64xf32, #tpu.memory_space<hbm>>, %arg5: memref<!tpu.dma_semaphore, #tpu.memory_space<semaphore_mem>>, %arg6: memref<25600xi32, #tpu.memory_space<vmem>>, %arg7: memref<128x64xf32, #tpu.memory_space<vmem>>, %arg8: memref<128x64xf32, #tpu.memory_space<vmem>>, %arg9: memref<128x64xf32, #tpu.memory_space<vmem>>, %arg10: memref<128x64xf32, #tpu.memory_space<vmem>>, %arg11: memref<128x64xf32, #tpu.memory_space<vmem>>, %arg12: memref<128x64xf32, #tpu.memory_space<vmem>>, %arg13: memref<128x64xf32, #tpu.memory_space<vmem>>, %arg14: memref<128x64xf32, #tpu.memory_space<vmem>>, %arg15: memref<!tpu.dma_semaphore, #tpu.memory_space<semaphore_mem>>, %arg16: memref<!tpu.dma_semaphore, #tpu.memory_space<semaphore_mem>>, %arg17: memref<!tpu.dma_semaphore, #tpu.memory_space<semaphore_mem>>, %arg18: memref<!tpu.dma_semaphore, #tpu.memory_space<semaphore_mem>>, %arg19: memref<!tpu.dma_semaphore, #tpu.memory_space<semaphore_mem>>, %arg20: memref<!tpu.dma_semaphore, #tpu.memory_space<semaphore_mem>>, %arg21: memref<!tpu.dma_semaphore, #tpu.memory_space<semaphore_mem>>, %arg22: memref<!tpu.dma_semaphore, #tpu.memory_space<semaphore_mem>>, %arg23: memref<!tpu.dma_semaphore, #tpu.memory_space<semaphore_mem>>, %arg24: memref<!tpu.dma_semaphore, #tpu.memory_space<semaphore_mem>>, %arg25: memref<!tpu.dma_semaphore, #tpu.memory_space<semaphore_mem>>, %arg26: memref<!tpu.dma_semaphore, #tpu.memory_space<semaphore_mem>>, %arg27: memref<!tpu.dma_semaphore, #tpu.memory_space<semaphore_mem>>, %arg28: memref<!tpu.dma_semaphore, #tpu.memory_space<semaphore_mem>>, %arg29: memref<!tpu.dma_semaphore, #tpu.memory_space<semaphore_mem>>, %arg30: memref<!tpu.dma_semaphore, #tpu.memory_space<semaphore_mem>>) attributes {dimension_semantics = [#tpu.dimension_semantics<core_parallel>, #tpu.dimension_semantics<subcore_parallel>], iteration_bounds = array<i64: 2, 16>, scalar_prefetch = 0 : i64, scratch_operands = 26 : i64, tpu.core_type = #tpu.core_type<sc_vector_subcore>, window_params = [{transform_indices = #map}, {transform_indices = #map1}, {transform_indices = #map1}]} {
    %mul3A = arith.constant 2 : i32
    %mul3A_0 = arith.muli %arg1, %mul3A : i32
    %add3A = arith.addi %mul3A_0, %arg0 : i32
    %mul3A_1 = arith.constant 25600 : i32
    %mul3A_2 = arith.muli %add3A, %mul3A_1 : i32
    "tpu.region"() ({
      %run_scoped3A = tpu.sem_alloc : memref<!tpu.dma_semaphore, #tpu.memory_space<semaphore_mem>>
      %dma_start3A_436 = arith.constant 0 : i32
      %dma_start3A_437 = tpu.memref_slice %arg6[%dma_start3A_436] : memref<25600xi32, #tpu.memory_space<vmem>> -> memref<512xi32, #tpu.memory_space<vmem>>
      %dma_start3A_438 = tpu.memref_slice %arg2[%mul3A_2] : memref<819200xi32, #tpu.memory_space<hbm>> -> memref<512xi32, #tpu.memory_space<hbm>>
      %dma_start3A_439 = arith.constant 0 : i32
      %dma_start3A_440 = tpu.memref_slice %arg6[%dma_start3A_439] : memref<25600xi32, #tpu.memory_space<vmem>> -> memref<512xi32, #tpu.memory_space<vmem>>
      %dma_start3A_441 = tpu.memref_slice %arg2[%mul3A_2] : memref<819200xi32, #tpu.memory_space<hbm>> -> memref<512xi32, #tpu.memory_space<hbm>>
      tpu.enqueue_dma source(%dma_start3A_441 : memref<512xi32, #tpu.memory_space<hbm>>) target(%dma_start3A_440 : memref<512xi32, #tpu.memory_space<vmem>>) target_semaphore(%run_scoped3A : memref<!tpu.dma_semaphore, #tpu.memory_space<semaphore_mem>>)
      %dma_wait3A_442 = arith.constant 0 : i32
      %dma_wait3A_443 = tpu.memref_slice %arg6[%dma_wait3A_442] : memref<25600xi32, #tpu.memory_space<vmem>> -> memref<512xi32, #tpu.memory_space<vmem>>
      %dma_wait3A_444 = tpu.memref_slice %arg2[%mul3A_2] : memref<819200xi32, #tpu.memory_space<hbm>> -> memref<512xi32, #tpu.memory_space<hbm>>
      %dma_wait3A_445 = arith.constant 0 : i32
      %dma_wait3A_446 = tpu.memref_slice %arg6[%dma_wait3A_445] : memref<25600xi32, #tpu.memory_space<vmem>> -> memref<512xi32, #tpu.memory_space<vmem>>
      %dma_wait3A_447 = tpu.memref_slice %arg2[%mul3A_2] : memref<819200xi32, #tpu.memory_space<hbm>> -> memref<512xi32, #tpu.memory_space<hbm>>
      tpu.wait_dma2 semaphore(%run_scoped3A : memref<!tpu.dma_semaphore, #tpu.memory_space<semaphore_mem>>) src(%dma_wait3A_447 : memref<512xi32, #tpu.memory_space<hbm>>) dst(%dma_wait3A_446 : memref<512xi32, #tpu.memory_space<vmem>>)
      tpu.yield
    }) : () -> ()
    %add3A_3 = arith.constant 512 : i32
    %add3A_4 = arith.addi %mul3A_2, %add3A_3 : i32
    %dma_start3A = arith.constant 512 : i32
    %dma_start3A_5 = tpu.memref_slice %arg6[%dma_start3A] : memref<25600xi32, #tpu.memory_space<vmem>> -> memref<25088xi32, #tpu.memory_space<vmem>>
    %dma_start3A_6 = tpu.memref_slice %arg2[%add3A_4] : memref<819200xi32, #tpu.memory_space<hbm>> -> memref<25088xi32, #tpu.memory_space<hbm>>
    %dma_start3A_7 = arith.constant 512 : i32
    %dma_start3A_8 = tpu.memref_slice %arg6[%dma_start3A_7] : memref<25600xi32, #tpu.memory_space<vmem>> -> memref<25088xi32, #tpu.memory_space<vmem>>
    %dma_start3A_9 = tpu.memref_slice %arg2[%add3A_4] : memref<819200xi32, #tpu.memory_space<hbm>> -> memref<25088xi32, #tpu.memory_space<hbm>>
    tpu.enqueue_dma source(%dma_start3A_9 : memref<25088xi32, #tpu.memory_space<hbm>>) target(%dma_start3A_8 : memref<25088xi32, #tpu.memory_space<vmem>>) target_semaphore(%arg5 : memref<!tpu.dma_semaphore, #tpu.memory_space<semaphore_mem>>)
    %dma_start3A_10 = arith.constant 0 : i32
    %dma_start3A_11 = arith.constant 0 : i32
    %dma_start3A_12 = tpu.memref_slice %arg7[%dma_start3A_10, %dma_start3A_11] : memref<128x64xf32, #tpu.memory_space<vmem>> -> memref<128x64xf32, #tpu.memory_space<vmem>>
    %dma_start3A_13 = arith.constant 0 : i32
    %dma_start3A_14 = tpu.memref_slice %arg6[%dma_start3A_13] : memref<25600xi32, #tpu.memory_space<vmem>> -> memref<128xi32, #tpu.memory_space<vmem>>
    %dma_start3A_15 = arith.constant 0 : i32
    %dma_start3A_16 = arith.constant 0 : i32
    %dma_start3A_17 = tpu.memref_slice %arg3[%dma_start3A_15, %dma_start3A_16] : memref<100000x64xf32, #tpu.memory_space<hbm>> -> memref<100000x64xf32, #tpu.memory_space<hbm>>
    tpu.enqueue_indirect_dma source(%dma_start3A_17 : memref<100000x64xf32, #tpu.memory_space<hbm>>) target(%dma_start3A_12 : memref<128x64xf32, #tpu.memory_space<vmem>>) offsets(%dma_start3A_14 : memref<128xi32, #tpu.memory_space<vmem>>) semaphore(%arg15 : memref<!tpu.dma_semaphore, #tpu.memory_space<semaphore_mem>>)
    %dma_start3A_18 = arith.constant 0 : i32
    %dma_start3A_19 = arith.constant 0 : i32
    %dma_start3A_20 = tpu.memref_slice %arg8[%dma_start3A_18, %dma_start3A_19] : memref<128x64xf32, #tpu.memory_space<vmem>> -> memref<128x64xf32, #tpu.memory_space<vmem>>
    %dma_start3A_21 = arith.constant 128 : i32
    %dma_start3A_22 = tpu.memref_slice %arg6[%dma_start3A_21] : memref<25600xi32, #tpu.memory_space<vmem>> -> memref<128xi32, #tpu.memory_space<vmem>>
    %dma_start3A_23 = arith.constant 0 : i32
    %dma_start3A_24 = arith.constant 0 : i32
    %dma_start3A_25 = tpu.memref_slice %arg3[%dma_start3A_23, %dma_start3A_24] : memref<100000x64xf32, #tpu.memory_space<hbm>> -> memref<100000x64xf32, #tpu.memory_space<hbm>>
    tpu.enqueue_indirect_dma source(%dma_start3A_25 : memref<100000x64xf32, #tpu.memory_space<hbm>>) target(%dma_start3A_20 : memref<128x64xf32, #tpu.memory_space<vmem>>) offsets(%dma_start3A_22 : memref<128xi32, #tpu.memory_space<vmem>>) semaphore(%arg16 : memref<!tpu.dma_semaphore, #tpu.memory_space<semaphore_mem>>)
    %dma_start3A_26 = arith.constant 0 : i32
    %dma_start3A_27 = arith.constant 0 : i32
    %dma_start3A_28 = tpu.memref_slice %arg9[%dma_start3A_26, %dma_start3A_27] : memref<128x64xf32, #tpu.memory_space<vmem>> -> memref<128x64xf32, #tpu.memory_space<vmem>>
    %dma_start3A_29 = arith.constant 256 : i32
    %dma_start3A_30 = tpu.memref_slice %arg6[%dma_start3A_29] : memref<25600xi32, #tpu.memory_space<vmem>> -> memref<128xi32, #tpu.memory_space<vmem>>
    %dma_start3A_31 = arith.constant 0 : i32
    %dma_start3A_32 = arith.constant 0 : i32
    %dma_start3A_33 = tpu.memref_slice %arg3[%dma_start3A_31, %dma_start3A_32] : memref<100000x64xf32, #tpu.memory_space<hbm>> -> memref<100000x64xf32, #tpu.memory_space<hbm>>
    tpu.enqueue_indirect_dma source(%dma_start3A_33 : memref<100000x64xf32, #tpu.memory_space<hbm>>) target(%dma_start3A_28 : memref<128x64xf32, #tpu.memory_space<vmem>>) offsets(%dma_start3A_30 : memref<128xi32, #tpu.memory_space<vmem>>) semaphore(%arg17 : memref<!tpu.dma_semaphore, #tpu.memory_space<semaphore_mem>>)
    %dma_start3A_34 = arith.constant 0 : i32
    %dma_start3A_35 = arith.constant 0 : i32
    %dma_start3A_36 = tpu.memref_slice %arg10[%dma_start3A_34, %dma_start3A_35] : memref<128x64xf32, #tpu.memory_space<vmem>> -> memref<128x64xf32, #tpu.memory_space<vmem>>
    %dma_start3A_37 = arith.constant 384 : i32
    %dma_start3A_38 = tpu.memref_slice %arg6[%dma_start3A_37] : memref<25600xi32, #tpu.memory_space<vmem>> -> memref<128xi32, #tpu.memory_space<vmem>>
    %dma_start3A_39 = arith.constant 0 : i32
    %dma_start3A_40 = arith.constant 0 : i32
    %dma_start3A_41 = tpu.memref_slice %arg3[%dma_start3A_39, %dma_start3A_40] : memref<100000x64xf32, #tpu.memory_space<hbm>> -> memref<100000x64xf32, #tpu.memory_space<hbm>>
    tpu.enqueue_indirect_dma source(%dma_start3A_41 : memref<100000x64xf32, #tpu.memory_space<hbm>>) target(%dma_start3A_36 : memref<128x64xf32, #tpu.memory_space<vmem>>) offsets(%dma_start3A_38 : memref<128xi32, #tpu.memory_space<vmem>>) semaphore(%arg18 : memref<!tpu.dma_semaphore, #tpu.memory_space<semaphore_mem>>)
    %dma_wait3A = arith.constant 512 : i32
    %dma_wait3A_42 = tpu.memref_slice %arg6[%dma_wait3A] : memref<25600xi32, #tpu.memory_space<vmem>> -> memref<25088xi32, #tpu.memory_space<vmem>>
    %dma_wait3A_43 = tpu.memref_slice %arg2[%add3A_4] : memref<819200xi32, #tpu.memory_space<hbm>> -> memref<25088xi32, #tpu.memory_space<hbm>>
    %dma_wait3A_44 = arith.constant 512 : i32
    %dma_wait3A_45 = tpu.memref_slice %arg6[%dma_wait3A_44] : memref<25600xi32, #tpu.memory_space<vmem>> -> memref<25088xi32, #tpu.memory_space<vmem>>
    %dma_wait3A_46 = tpu.memref_slice %arg2[%add3A_4] : memref<819200xi32, #tpu.memory_space<hbm>> -> memref<25088xi32, #tpu.memory_space<hbm>>
    tpu.wait_dma2 semaphore(%arg5 : memref<!tpu.dma_semaphore, #tpu.memory_space<semaphore_mem>>) src(%dma_wait3A_46 : memref<25088xi32, #tpu.memory_space<hbm>>) dst(%dma_wait3A_45 : memref<25088xi32, #tpu.memory_space<vmem>>)
    %dma_wait3A_47 = arith.constant 0 : i32
    %dma_wait3A_48 = arith.constant 0 : i32
    %dma_wait3A_49 = tpu.memref_slice %arg4[%dma_wait3A_47, %dma_wait3A_48] : memref<819200x64xf32, #tpu.memory_space<hbm>> -> memref<128x64xf32, #tpu.memory_space<hbm>>
    %dma_wait3A_50 = arith.constant 0 : i32
    %dma_wait3A_51 = arith.constant 0 : i32
    %dma_wait3A_52 = tpu.memref_slice %arg4[%dma_wait3A_50, %dma_wait3A_51] : memref<819200x64xf32, #tpu.memory_space<hbm>> -> memref<128x64xf32, #tpu.memory_space<hbm>>
    tpu.wait_dma2 semaphore(%arg15 : memref<!tpu.dma_semaphore, #tpu.memory_space<semaphore_mem>>) src(%dma_wait3A_52 : memref<128x64xf32, #tpu.memory_space<hbm>>) dst(%arg7 : memref<128x64xf32, #tpu.memory_space<vmem>>)
    %add3A_53 = arith.constant 0 : i32
    %add3A_54 = arith.addi %mul3A_2, %add3A_53 : i32
    %dma_start3A_55 = arith.constant 0 : i32
    %dma_start3A_56 = tpu.memref_slice %arg4[%add3A_54, %dma_start3A_55] : memref<819200x64xf32, #tpu.memory_space<hbm>> -> memref<128x64xf32, #tpu.memory_space<hbm>>
    %dma_start3A_57 = arith.constant 0 : i32
    %dma_start3A_58 = tpu.memref_slice %arg4[%add3A_54, %dma_start3A_57] : memref<819200x64xf32, #tpu.memory_space<hbm>> -> memref<128x64xf32, #tpu.memory_space<hbm>>
    tpu.enqueue_dma source(%arg7 : memref<128x64xf32, #tpu.memory_space<vmem>>) target(%dma_start3A_58 : memref<128x64xf32, #tpu.memory_space<hbm>>) target_semaphore(%arg23 : memref<!tpu.dma_semaphore, #tpu.memory_space<semaphore_mem>>)
    %dma_start3A_59 = arith.constant 0 : i32
    %dma_start3A_60 = arith.constant 0 : i32
    %dma_start3A_61 = tpu.memref_slice %arg11[%dma_start3A_59, %dma_start3A_60] : memref<128x64xf32, #tpu.memory_space<vmem>> -> memref<128x64xf32, #tpu.memory_space<vmem>>
    %dma_start3A_62 = arith.constant 512 : i32
    %dma_start3A_63 = tpu.memref_slice %arg6[%dma_start3A_62] : memref<25600xi32, #tpu.memory_space<vmem>> -> memref<128xi32, #tpu.memory_space<vmem>>
    %dma_start3A_64 = arith.constant 0 : i32
    %dma_start3A_65 = arith.constant 0 : i32
    %dma_start3A_66 = tpu.memref_slice %arg3[%dma_start3A_64, %dma_start3A_65] : memref<100000x64xf32, #tpu.memory_space<hbm>> -> memref<100000x64xf32, #tpu.memory_space<hbm>>
    tpu.enqueue_indirect_dma source(%dma_start3A_66 : memref<100000x64xf32, #tpu.memory_space<hbm>>) target(%dma_start3A_61 : memref<128x64xf32, #tpu.memory_space<vmem>>) offsets(%dma_start3A_63 : memref<128xi32, #tpu.memory_space<vmem>>) semaphore(%arg19 : memref<!tpu.dma_semaphore, #tpu.memory_space<semaphore_mem>>)
    %dma_wait3A_67 = arith.constant 0 : i32
    %dma_wait3A_68 = arith.constant 0 : i32
    %dma_wait3A_69 = tpu.memref_slice %arg4[%dma_wait3A_67, %dma_wait3A_68] : memref<819200x64xf32, #tpu.memory_space<hbm>> -> memref<128x64xf32, #tpu.memory_space<hbm>>
    %dma_wait3A_70 = arith.constant 0 : i32
    %dma_wait3A_71 = arith.constant 0 : i32
    %dma_wait3A_72 = tpu.memref_slice %arg4[%dma_wait3A_70, %dma_wait3A_71] : memref<819200x64xf32, #tpu.memory_space<hbm>> -> memref<128x64xf32, #tpu.memory_space<hbm>>
    tpu.wait_dma2 semaphore(%arg16 : memref<!tpu.dma_semaphore, #tpu.memory_space<semaphore_mem>>) src(%dma_wait3A_72 : memref<128x64xf32, #tpu.memory_space<hbm>>) dst(%arg8 : memref<128x64xf32, #tpu.memory_space<vmem>>)
    %add3A_73 = arith.constant 128 : i32
    %add3A_74 = arith.addi %mul3A_2, %add3A_73 : i32
    %dma_start3A_75 = arith.constant 0 : i32
    %dma_start3A_76 = tpu.memref_slice %arg4[%add3A_74, %dma_start3A_75] : memref<819200x64xf32, #tpu.memory_space<hbm>> -> memref<128x64xf32, #tpu.memory_space<hbm>>
    %dma_start3A_77 = arith.constant 0 : i32
    %dma_start3A_78 = tpu.memref_slice %arg4[%add3A_74, %dma_start3A_77] : memref<819200x64xf32, #tpu.memory_space<hbm>> -> memref<128x64xf32, #tpu.memory_space<hbm>>
    tpu.enqueue_dma source(%arg8 : memref<128x64xf32, #tpu.memory_space<vmem>>) target(%dma_start3A_78 : memref<128x64xf32, #tpu.memory_space<hbm>>) target_semaphore(%arg24 : memref<!tpu.dma_semaphore, #tpu.memory_space<semaphore_mem>>)
    %dma_start3A_79 = arith.constant 0 : i32
    %dma_start3A_80 = arith.constant 0 : i32
    %dma_start3A_81 = tpu.memref_slice %arg12[%dma_start3A_79, %dma_start3A_80] : memref<128x64xf32, #tpu.memory_space<vmem>> -> memref<128x64xf32, #tpu.memory_space<vmem>>
    %dma_start3A_82 = arith.constant 640 : i32
    %dma_start3A_83 = tpu.memref_slice %arg6[%dma_start3A_82] : memref<25600xi32, #tpu.memory_space<vmem>> -> memref<128xi32, #tpu.memory_space<vmem>>
    %dma_start3A_84 = arith.constant 0 : i32
    %dma_start3A_85 = arith.constant 0 : i32
    %dma_start3A_86 = tpu.memref_slice %arg3[%dma_start3A_84, %dma_start3A_85] : memref<100000x64xf32, #tpu.memory_space<hbm>> -> memref<100000x64xf32, #tpu.memory_space<hbm>>
    tpu.enqueue_indirect_dma source(%dma_start3A_86 : memref<100000x64xf32, #tpu.memory_space<hbm>>) target(%dma_start3A_81 : memref<128x64xf32, #tpu.memory_space<vmem>>) offsets(%dma_start3A_83 : memref<128xi32, #tpu.memory_space<vmem>>) semaphore(%arg20 : memref<!tpu.dma_semaphore, #tpu.memory_space<semaphore_mem>>)
    %dma_wait3A_87 = arith.constant 0 : i32
    %dma_wait3A_88 = arith.constant 0 : i32
    %dma_wait3A_89 = tpu.memref_slice %arg4[%dma_wait3A_87, %dma_wait3A_88] : memref<819200x64xf32, #tpu.memory_space<hbm>> -> memref<128x64xf32, #tpu.memory_space<hbm>>
    %dma_wait3A_90 = arith.constant 0 : i32
    %dma_wait3A_91 = arith.constant 0 : i32
    %dma_wait3A_92 = tpu.memref_slice %arg4[%dma_wait3A_90, %dma_wait3A_91] : memref<819200x64xf32, #tpu.memory_space<hbm>> -> memref<128x64xf32, #tpu.memory_space<hbm>>
    tpu.wait_dma2 semaphore(%arg17 : memref<!tpu.dma_semaphore, #tpu.memory_space<semaphore_mem>>) src(%dma_wait3A_92 : memref<128x64xf32, #tpu.memory_space<hbm>>) dst(%arg9 : memref<128x64xf32, #tpu.memory_space<vmem>>)
    %add3A_93 = arith.constant 256 : i32
    %add3A_94 = arith.addi %mul3A_2, %add3A_93 : i32
    %dma_start3A_95 = arith.constant 0 : i32
    %dma_start3A_96 = tpu.memref_slice %arg4[%add3A_94, %dma_start3A_95] : memref<819200x64xf32, #tpu.memory_space<hbm>> -> memref<128x64xf32, #tpu.memory_space<hbm>>
    %dma_start3A_97 = arith.constant 0 : i32
    %dma_start3A_98 = tpu.memref_slice %arg4[%add3A_94, %dma_start3A_97] : memref<819200x64xf32, #tpu.memory_space<hbm>> -> memref<128x64xf32, #tpu.memory_space<hbm>>
    tpu.enqueue_dma source(%arg9 : memref<128x64xf32, #tpu.memory_space<vmem>>) target(%dma_start3A_98 : memref<128x64xf32, #tpu.memory_space<hbm>>) target_semaphore(%arg25 : memref<!tpu.dma_semaphore, #tpu.memory_space<semaphore_mem>>)
    %dma_start3A_99 = arith.constant 0 : i32
    %dma_start3A_100 = arith.constant 0 : i32
    %dma_start3A_101 = tpu.memref_slice %arg13[%dma_start3A_99, %dma_start3A_100] : memref<128x64xf32, #tpu.memory_space<vmem>> -> memref<128x64xf32, #tpu.memory_space<vmem>>
    %dma_start3A_102 = arith.constant 768 : i32
    %dma_start3A_103 = tpu.memref_slice %arg6[%dma_start3A_102] : memref<25600xi32, #tpu.memory_space<vmem>> -> memref<128xi32, #tpu.memory_space<vmem>>
    %dma_start3A_104 = arith.constant 0 : i32
    %dma_start3A_105 = arith.constant 0 : i32
    %dma_start3A_106 = tpu.memref_slice %arg3[%dma_start3A_104, %dma_start3A_105] : memref<100000x64xf32, #tpu.memory_space<hbm>> -> memref<100000x64xf32, #tpu.memory_space<hbm>>
    tpu.enqueue_indirect_dma source(%dma_start3A_106 : memref<100000x64xf32, #tpu.memory_space<hbm>>) target(%dma_start3A_101 : memref<128x64xf32, #tpu.memory_space<vmem>>) offsets(%dma_start3A_103 : memref<128xi32, #tpu.memory_space<vmem>>) semaphore(%arg21 : memref<!tpu.dma_semaphore, #tpu.memory_space<semaphore_mem>>)
    %dma_wait3A_107 = arith.constant 0 : i32
    %dma_wait3A_108 = arith.constant 0 : i32
    %dma_wait3A_109 = tpu.memref_slice %arg4[%dma_wait3A_107, %dma_wait3A_108] : memref<819200x64xf32, #tpu.memory_space<hbm>> -> memref<128x64xf32, #tpu.memory_space<hbm>>
    %dma_wait3A_110 = arith.constant 0 : i32
    %dma_wait3A_111 = arith.constant 0 : i32
    %dma_wait3A_112 = tpu.memref_slice %arg4[%dma_wait3A_110, %dma_wait3A_111] : memref<819200x64xf32, #tpu.memory_space<hbm>> -> memref<128x64xf32, #tpu.memory_space<hbm>>
    tpu.wait_dma2 semaphore(%arg18 : memref<!tpu.dma_semaphore, #tpu.memory_space<semaphore_mem>>) src(%dma_wait3A_112 : memref<128x64xf32, #tpu.memory_space<hbm>>) dst(%arg10 : memref<128x64xf32, #tpu.memory_space<vmem>>)
    %add3A_113 = arith.constant 384 : i32
    %add3A_114 = arith.addi %mul3A_2, %add3A_113 : i32
    %dma_start3A_115 = arith.constant 0 : i32
    %dma_start3A_116 = tpu.memref_slice %arg4[%add3A_114, %dma_start3A_115] : memref<819200x64xf32, #tpu.memory_space<hbm>> -> memref<128x64xf32, #tpu.memory_space<hbm>>
    %dma_start3A_117 = arith.constant 0 : i32
    %dma_start3A_118 = tpu.memref_slice %arg4[%add3A_114, %dma_start3A_117] : memref<819200x64xf32, #tpu.memory_space<hbm>> -> memref<128x64xf32, #tpu.memory_space<hbm>>
    tpu.enqueue_dma source(%arg10 : memref<128x64xf32, #tpu.memory_space<vmem>>) target(%dma_start3A_118 : memref<128x64xf32, #tpu.memory_space<hbm>>) target_semaphore(%arg26 : memref<!tpu.dma_semaphore, #tpu.memory_space<semaphore_mem>>)
    %dma_start3A_119 = arith.constant 0 : i32
    %dma_start3A_120 = arith.constant 0 : i32
    %dma_start3A_121 = tpu.memref_slice %arg14[%dma_start3A_119, %dma_start3A_120] : memref<128x64xf32, #tpu.memory_space<vmem>> -> memref<128x64xf32, #tpu.memory_space<vmem>>
    %dma_start3A_122 = arith.constant 896 : i32
    %dma_start3A_123 = tpu.memref_slice %arg6[%dma_start3A_122] : memref<25600xi32, #tpu.memory_space<vmem>> -> memref<128xi32, #tpu.memory_space<vmem>>
    %dma_start3A_124 = arith.constant 0 : i32
    %dma_start3A_125 = arith.constant 0 : i32
    %dma_start3A_126 = tpu.memref_slice %arg3[%dma_start3A_124, %dma_start3A_125] : memref<100000x64xf32, #tpu.memory_space<hbm>> -> memref<100000x64xf32, #tpu.memory_space<hbm>>
    tpu.enqueue_indirect_dma source(%dma_start3A_126 : memref<100000x64xf32, #tpu.memory_space<hbm>>) target(%dma_start3A_121 : memref<128x64xf32, #tpu.memory_space<vmem>>) offsets(%dma_start3A_123 : memref<128xi32, #tpu.memory_space<vmem>>) semaphore(%arg22 : memref<!tpu.dma_semaphore, #tpu.memory_space<semaphore_mem>>)
    %dma_wait3A_127 = arith.constant 0 : i32
    %dma_wait3A_128 = arith.constant 0 : i32
    %dma_wait3A_129 = tpu.memref_slice %arg4[%dma_wait3A_127, %dma_wait3A_128] : memref<819200x64xf32, #tpu.memory_space<hbm>> -> memref<128x64xf32, #tpu.memory_space<hbm>>
    %dma_wait3A_130 = arith.constant 0 : i32
    %dma_wait3A_131 = arith.constant 0 : i32
    %dma_wait3A_132 = tpu.memref_slice %arg4[%dma_wait3A_130, %dma_wait3A_131] : memref<819200x64xf32, #tpu.memory_space<hbm>> -> memref<128x64xf32, #tpu.memory_space<hbm>>
    tpu.wait_dma2 semaphore(%arg19 : memref<!tpu.dma_semaphore, #tpu.memory_space<semaphore_mem>>) src(%dma_wait3A_132 : memref<128x64xf32, #tpu.memory_space<hbm>>) dst(%arg11 : memref<128x64xf32, #tpu.memory_space<vmem>>)
    %add3A_133 = arith.constant 512 : i32
    %add3A_134 = arith.addi %mul3A_2, %add3A_133 : i32
    %dma_start3A_135 = arith.constant 0 : i32
    %dma_start3A_136 = tpu.memref_slice %arg4[%add3A_134, %dma_start3A_135] : memref<819200x64xf32, #tpu.memory_space<hbm>> -> memref<128x64xf32, #tpu.memory_space<hbm>>
    %dma_start3A_137 = arith.constant 0 : i32
    %dma_start3A_138 = tpu.memref_slice %arg4[%add3A_134, %dma_start3A_137] : memref<819200x64xf32, #tpu.memory_space<hbm>> -> memref<128x64xf32, #tpu.memory_space<hbm>>
    tpu.enqueue_dma source(%arg11 : memref<128x64xf32, #tpu.memory_space<vmem>>) target(%dma_start3A_138 : memref<128x64xf32, #tpu.memory_space<hbm>>) target_semaphore(%arg27 : memref<!tpu.dma_semaphore, #tpu.memory_space<semaphore_mem>>)
    %dma_wait3A_139 = arith.constant 0 : i32
    %dma_wait3A_140 = arith.constant 0 : i32
    %dma_wait3A_141 = tpu.memref_slice %arg4[%dma_wait3A_139, %dma_wait3A_140] : memref<819200x64xf32, #tpu.memory_space<hbm>> -> memref<128x64xf32, #tpu.memory_space<hbm>>
    %dma_wait3A_142 = arith.constant 0 : i32
    %dma_wait3A_143 = arith.constant 0 : i32
    %dma_wait3A_144 = tpu.memref_slice %arg4[%dma_wait3A_142, %dma_wait3A_143] : memref<819200x64xf32, #tpu.memory_space<hbm>> -> memref<128x64xf32, #tpu.memory_space<hbm>>
    tpu.wait_dma2 semaphore(%arg23 : memref<!tpu.dma_semaphore, #tpu.memory_space<semaphore_mem>>) src(%arg7 : memref<128x64xf32, #tpu.memory_space<vmem>>) dst(%dma_wait3A_144 : memref<128x64xf32, #tpu.memory_space<hbm>>)
    %dma_start3A_145 = arith.constant 0 : i32
    %dma_start3A_146 = arith.constant 0 : i32
    %dma_start3A_147 = tpu.memref_slice %arg7[%dma_start3A_145, %dma_start3A_146] : memref<128x64xf32, #tpu.memory_space<vmem>> -> memref<128x64xf32, #tpu.memory_space<vmem>>
    %dma_start3A_148 = arith.constant 1024 : i32
    %dma_start3A_149 = tpu.memref_slice %arg6[%dma_start3A_148] : memref<25600xi32, #tpu.memory_space<vmem>> -> memref<128xi32, #tpu.memory_space<vmem>>
    %dma_start3A_150 = arith.constant 0 : i32
    %dma_start3A_151 = arith.constant 0 : i32
    %dma_start3A_152 = tpu.memref_slice %arg3[%dma_start3A_150, %dma_start3A_151] : memref<100000x64xf32, #tpu.memory_space<hbm>> -> memref<100000x64xf32, #tpu.memory_space<hbm>>
    tpu.enqueue_indirect_dma source(%dma_start3A_152 : memref<100000x64xf32, #tpu.memory_space<hbm>>) target(%dma_start3A_147 : memref<128x64xf32, #tpu.memory_space<vmem>>) offsets(%dma_start3A_149 : memref<128xi32, #tpu.memory_space<vmem>>) semaphore(%arg15 : memref<!tpu.dma_semaphore, #tpu.memory_space<semaphore_mem>>)
    %dma_wait3A_153 = arith.constant 0 : i32
    %dma_wait3A_154 = arith.constant 0 : i32
    %dma_wait3A_155 = tpu.memref_slice %arg4[%dma_wait3A_153, %dma_wait3A_154] : memref<819200x64xf32, #tpu.memory_space<hbm>> -> memref<128x64xf32, #tpu.memory_space<hbm>>
    %dma_wait3A_156 = arith.constant 0 : i32
    %dma_wait3A_157 = arith.constant 0 : i32
    %dma_wait3A_158 = tpu.memref_slice %arg4[%dma_wait3A_156, %dma_wait3A_157] : memref<819200x64xf32, #tpu.memory_space<hbm>> -> memref<128x64xf32, #tpu.memory_space<hbm>>
    tpu.wait_dma2 semaphore(%arg20 : memref<!tpu.dma_semaphore, #tpu.memory_space<semaphore_mem>>) src(%dma_wait3A_158 : memref<128x64xf32, #tpu.memory_space<hbm>>) dst(%arg12 : memref<128x64xf32, #tpu.memory_space<vmem>>)
    %add3A_159 = arith.constant 640 : i32
    %add3A_160 = arith.addi %mul3A_2, %add3A_159 : i32
    %dma_start3A_161 = arith.constant 0 : i32
    %dma_start3A_162 = tpu.memref_slice %arg4[%add3A_160, %dma_start3A_161] : memref<819200x64xf32, #tpu.memory_space<hbm>> -> memref<128x64xf32, #tpu.memory_space<hbm>>
    %dma_start3A_163 = arith.constant 0 : i32
    %dma_start3A_164 = tpu.memref_slice %arg4[%add3A_160, %dma_start3A_163] : memref<819200x64xf32, #tpu.memory_space<hbm>> -> memref<128x64xf32, #tpu.memory_space<hbm>>
    tpu.enqueue_dma source(%arg12 : memref<128x64xf32, #tpu.memory_space<vmem>>) target(%dma_start3A_164 : memref<128x64xf32, #tpu.memory_space<hbm>>) target_semaphore(%arg28 : memref<!tpu.dma_semaphore, #tpu.memory_space<semaphore_mem>>)
    %dma_wait3A_165 = arith.constant 0 : i32
    %dma_wait3A_166 = arith.constant 0 : i32
    %dma_wait3A_167 = tpu.memref_slice %arg4[%dma_wait3A_165, %dma_wait3A_166] : memref<819200x64xf32, #tpu.memory_space<hbm>> -> memref<128x64xf32, #tpu.memory_space<hbm>>
    %dma_wait3A_168 = arith.constant 0 : i32
    %dma_wait3A_169 = arith.constant 0 : i32
    %dma_wait3A_170 = tpu.memref_slice %arg4[%dma_wait3A_168, %dma_wait3A_169] : memref<819200x64xf32, #tpu.memory_space<hbm>> -> memref<128x64xf32, #tpu.memory_space<hbm>>
    tpu.wait_dma2 semaphore(%arg24 : memref<!tpu.dma_semaphore, #tpu.memory_space<semaphore_mem>>) src(%arg8 : memref<128x64xf32, #tpu.memory_space<vmem>>) dst(%dma_wait3A_170 : memref<128x64xf32, #tpu.memory_space<hbm>>)
    %dma_start3A_171 = arith.constant 0 : i32
    %dma_start3A_172 = arith.constant 0 : i32
    %dma_start3A_173 = tpu.memref_slice %arg8[%dma_start3A_171, %dma_start3A_172] : memref<128x64xf32, #tpu.memory_space<vmem>> -> memref<128x64xf32, #tpu.memory_space<vmem>>
    %dma_start3A_174 = arith.constant 1152 : i32
    %dma_start3A_175 = tpu.memref_slice %arg6[%dma_start3A_174] : memref<25600xi32, #tpu.memory_space<vmem>> -> memref<128xi32, #tpu.memory_space<vmem>>
    %dma_start3A_176 = arith.constant 0 : i32
    %dma_start3A_177 = arith.constant 0 : i32
    %dma_start3A_178 = tpu.memref_slice %arg3[%dma_start3A_176, %dma_start3A_177] : memref<100000x64xf32, #tpu.memory_space<hbm>> -> memref<100000x64xf32, #tpu.memory_space<hbm>>
    tpu.enqueue_indirect_dma source(%dma_start3A_178 : memref<100000x64xf32, #tpu.memory_space<hbm>>) target(%dma_start3A_173 : memref<128x64xf32, #tpu.memory_space<vmem>>) offsets(%dma_start3A_175 : memref<128xi32, #tpu.memory_space<vmem>>) semaphore(%arg16 : memref<!tpu.dma_semaphore, #tpu.memory_space<semaphore_mem>>)
    %dma_wait3A_179 = arith.constant 0 : i32
    %dma_wait3A_180 = arith.constant 0 : i32
    %dma_wait3A_181 = tpu.memref_slice %arg4[%dma_wait3A_179, %dma_wait3A_180] : memref<819200x64xf32, #tpu.memory_space<hbm>> -> memref<128x64xf32, #tpu.memory_space<hbm>>
    %dma_wait3A_182 = arith.constant 0 : i32
    %dma_wait3A_183 = arith.constant 0 : i32
    %dma_wait3A_184 = tpu.memref_slice %arg4[%dma_wait3A_182, %dma_wait3A_183] : memref<819200x64xf32, #tpu.memory_space<hbm>> -> memref<128x64xf32, #tpu.memory_space<hbm>>
    tpu.wait_dma2 semaphore(%arg21 : memref<!tpu.dma_semaphore, #tpu.memory_space<semaphore_mem>>) src(%dma_wait3A_184 : memref<128x64xf32, #tpu.memory_space<hbm>>) dst(%arg13 : memref<128x64xf32, #tpu.memory_space<vmem>>)
    %add3A_185 = arith.constant 768 : i32
    %add3A_186 = arith.addi %mul3A_2, %add3A_185 : i32
    %dma_start3A_187 = arith.constant 0 : i32
    %dma_start3A_188 = tpu.memref_slice %arg4[%add3A_186, %dma_start3A_187] : memref<819200x64xf32, #tpu.memory_space<hbm>> -> memref<128x64xf32, #tpu.memory_space<hbm>>
    %dma_start3A_189 = arith.constant 0 : i32
    %dma_start3A_190 = tpu.memref_slice %arg4[%add3A_186, %dma_start3A_189] : memref<819200x64xf32, #tpu.memory_space<hbm>> -> memref<128x64xf32, #tpu.memory_space<hbm>>
    tpu.enqueue_dma source(%arg13 : memref<128x64xf32, #tpu.memory_space<vmem>>) target(%dma_start3A_190 : memref<128x64xf32, #tpu.memory_space<hbm>>) target_semaphore(%arg29 : memref<!tpu.dma_semaphore, #tpu.memory_space<semaphore_mem>>)
    %dma_wait3A_191 = arith.constant 0 : i32
    %dma_wait3A_192 = arith.constant 0 : i32
    %dma_wait3A_193 = tpu.memref_slice %arg4[%dma_wait3A_191, %dma_wait3A_192] : memref<819200x64xf32, #tpu.memory_space<hbm>> -> memref<128x64xf32, #tpu.memory_space<hbm>>
    %dma_wait3A_194 = arith.constant 0 : i32
    %dma_wait3A_195 = arith.constant 0 : i32
    %dma_wait3A_196 = tpu.memref_slice %arg4[%dma_wait3A_194, %dma_wait3A_195] : memref<819200x64xf32, #tpu.memory_space<hbm>> -> memref<128x64xf32, #tpu.memory_space<hbm>>
    tpu.wait_dma2 semaphore(%arg25 : memref<!tpu.dma_semaphore, #tpu.memory_space<semaphore_mem>>) src(%arg9 : memref<128x64xf32, #tpu.memory_space<vmem>>) dst(%dma_wait3A_196 : memref<128x64xf32, #tpu.memory_space<hbm>>)
    %dma_start3A_197 = arith.constant 0 : i32
    %dma_start3A_198 = arith.constant 0 : i32
    %dma_start3A_199 = tpu.memref_slice %arg9[%dma_start3A_197, %dma_start3A_198] : memref<128x64xf32, #tpu.memory_space<vmem>> -> memref<128x64xf32, #tpu.memory_space<vmem>>
    %dma_start3A_200 = arith.constant 1280 : i32
    %dma_start3A_201 = tpu.memref_slice %arg6[%dma_start3A_200] : memref<25600xi32, #tpu.memory_space<vmem>> -> memref<128xi32, #tpu.memory_space<vmem>>
    %dma_start3A_202 = arith.constant 0 : i32
    %dma_start3A_203 = arith.constant 0 : i32
    %dma_start3A_204 = tpu.memref_slice %arg3[%dma_start3A_202, %dma_start3A_203] : memref<100000x64xf32, #tpu.memory_space<hbm>> -> memref<100000x64xf32, #tpu.memory_space<hbm>>
    tpu.enqueue_indirect_dma source(%dma_start3A_204 : memref<100000x64xf32, #tpu.memory_space<hbm>>) target(%dma_start3A_199 : memref<128x64xf32, #tpu.memory_space<vmem>>) offsets(%dma_start3A_201 : memref<128xi32, #tpu.memory_space<vmem>>) semaphore(%arg17 : memref<!tpu.dma_semaphore, #tpu.memory_space<semaphore_mem>>)
    %dma_wait3A_205 = arith.constant 0 : i32
    %dma_wait3A_206 = arith.constant 0 : i32
    %dma_wait3A_207 = tpu.memref_slice %arg4[%dma_wait3A_205, %dma_wait3A_206] : memref<819200x64xf32, #tpu.memory_space<hbm>> -> memref<128x64xf32, #tpu.memory_space<hbm>>
    %dma_wait3A_208 = arith.constant 0 : i32
    %dma_wait3A_209 = arith.constant 0 : i32
    %dma_wait3A_210 = tpu.memref_slice %arg4[%dma_wait3A_208, %dma_wait3A_209] : memref<819200x64xf32, #tpu.memory_space<hbm>> -> memref<128x64xf32, #tpu.memory_space<hbm>>
    tpu.wait_dma2 semaphore(%arg22 : memref<!tpu.dma_semaphore, #tpu.memory_space<semaphore_mem>>) src(%dma_wait3A_210 : memref<128x64xf32, #tpu.memory_space<hbm>>) dst(%arg14 : memref<128x64xf32, #tpu.memory_space<vmem>>)
    %add3A_211 = arith.constant 896 : i32
    %add3A_212 = arith.addi %mul3A_2, %add3A_211 : i32
    %dma_start3A_213 = arith.constant 0 : i32
    %dma_start3A_214 = tpu.memref_slice %arg4[%add3A_212, %dma_start3A_213] : memref<819200x64xf32, #tpu.memory_space<hbm>> -> memref<128x64xf32, #tpu.memory_space<hbm>>
    %dma_start3A_215 = arith.constant 0 : i32
    %dma_start3A_216 = tpu.memref_slice %arg4[%add3A_212, %dma_start3A_215] : memref<819200x64xf32, #tpu.memory_space<hbm>> -> memref<128x64xf32, #tpu.memory_space<hbm>>
    tpu.enqueue_dma source(%arg14 : memref<128x64xf32, #tpu.memory_space<vmem>>) target(%dma_start3A_216 : memref<128x64xf32, #tpu.memory_space<hbm>>) target_semaphore(%arg30 : memref<!tpu.dma_semaphore, #tpu.memory_space<semaphore_mem>>)
    %dma_wait3A_217 = arith.constant 0 : i32
    %dma_wait3A_218 = arith.constant 0 : i32
    %dma_wait3A_219 = tpu.memref_slice %arg4[%dma_wait3A_217, %dma_wait3A_218] : memref<819200x64xf32, #tpu.memory_space<hbm>> -> memref<128x64xf32, #tpu.memory_space<hbm>>
    %dma_wait3A_220 = arith.constant 0 : i32
    %dma_wait3A_221 = arith.constant 0 : i32
    %dma_wait3A_222 = tpu.memref_slice %arg4[%dma_wait3A_220, %dma_wait3A_221] : memref<819200x64xf32, #tpu.memory_space<hbm>> -> memref<128x64xf32, #tpu.memory_space<hbm>>
    tpu.wait_dma2 semaphore(%arg26 : memref<!tpu.dma_semaphore, #tpu.memory_space<semaphore_mem>>) src(%arg10 : memref<128x64xf32, #tpu.memory_space<vmem>>) dst(%dma_wait3A_222 : memref<128x64xf32, #tpu.memory_space<hbm>>)
    %dma_start3A_223 = arith.constant 0 : i32
    %dma_start3A_224 = arith.constant 0 : i32
    %dma_start3A_225 = tpu.memref_slice %arg10[%dma_start3A_223, %dma_start3A_224] : memref<128x64xf32, #tpu.memory_space<vmem>> -> memref<128x64xf32, #tpu.memory_space<vmem>>
    %dma_start3A_226 = arith.constant 1408 : i32
    %dma_start3A_227 = tpu.memref_slice %arg6[%dma_start3A_226] : memref<25600xi32, #tpu.memory_space<vmem>> -> memref<128xi32, #tpu.memory_space<vmem>>
    %dma_start3A_228 = arith.constant 0 : i32
    %dma_start3A_229 = arith.constant 0 : i32
    %dma_start3A_230 = tpu.memref_slice %arg3[%dma_start3A_228, %dma_start3A_229] : memref<100000x64xf32, #tpu.memory_space<hbm>> -> memref<100000x64xf32, #tpu.memory_space<hbm>>
    tpu.enqueue_indirect_dma source(%dma_start3A_230 : memref<100000x64xf32, #tpu.memory_space<hbm>>) target(%dma_start3A_225 : memref<128x64xf32, #tpu.memory_space<vmem>>) offsets(%dma_start3A_227 : memref<128xi32, #tpu.memory_space<vmem>>) semaphore(%arg18 : memref<!tpu.dma_semaphore, #tpu.memory_space<semaphore_mem>>)
    %scan3A = arith.constant 0 : i32
    %scan3A_231 = arith.constant 1 : i32
    %scan3A_232 = arith.constant 23 : i32
    %scan3A_233 = arith.addi %scan3A_231, %scan3A_232 : i32
    %scan3A_234 = arith.constant 1 : i32
    scf.for %scan3A_436 = %scan3A_231 to %scan3A_233 step %scan3A_234  : i32 {
      %mul3A_437 = arith.constant 8 : i32
      %mul3A_438 = arith.muli %scan3A_436, %mul3A_437 : i32
      %add3A_439 = arith.constant 0 : i32
      %add3A_440 = arith.addi %mul3A_438, %add3A_439 : i32
      %dma_wait3A_441 = arith.constant 0 : i32
      %dma_wait3A_442 = arith.constant 0 : i32
      %dma_wait3A_443 = tpu.memref_slice %arg4[%dma_wait3A_441, %dma_wait3A_442] : memref<819200x64xf32, #tpu.memory_space<hbm>> -> memref<128x64xf32, #tpu.memory_space<hbm>>
      %dma_wait3A_444 = arith.constant 0 : i32
      %dma_wait3A_445 = arith.constant 0 : i32
      %dma_wait3A_446 = tpu.memref_slice %arg4[%dma_wait3A_444, %dma_wait3A_445] : memref<819200x64xf32, #tpu.memory_space<hbm>> -> memref<128x64xf32, #tpu.memory_space<hbm>>
      tpu.wait_dma2 semaphore(%arg15 : memref<!tpu.dma_semaphore, #tpu.memory_space<semaphore_mem>>) src(%dma_wait3A_446 : memref<128x64xf32, #tpu.memory_space<hbm>>) dst(%arg7 : memref<128x64xf32, #tpu.memory_space<vmem>>)
      %mul3A_447 = arith.constant 128 : i32
      %mul3A_448 = arith.muli %add3A_440, %mul3A_447 : i32
      %add3A_449 = arith.addi %mul3A_2, %mul3A_448 : i32
      %dma_start3A_450 = arith.constant 0 : i32
      %dma_start3A_451 = tpu.memref_slice %arg4[%add3A_449, %dma_start3A_450] : memref<819200x64xf32, #tpu.memory_space<hbm>> -> memref<128x64xf32, #tpu.memory_space<hbm>>
      %dma_start3A_452 = arith.constant 0 : i32
      %dma_start3A_453 = tpu.memref_slice %arg4[%add3A_449, %dma_start3A_452] : memref<819200x64xf32, #tpu.memory_space<hbm>> -> memref<128x64xf32, #tpu.memory_space<hbm>>
      tpu.enqueue_dma source(%arg7 : memref<128x64xf32, #tpu.memory_space<vmem>>) target(%dma_start3A_453 : memref<128x64xf32, #tpu.memory_space<hbm>>) target_semaphore(%arg23 : memref<!tpu.dma_semaphore, #tpu.memory_space<semaphore_mem>>)
      %dma_wait3A_454 = arith.constant 0 : i32
      %dma_wait3A_455 = arith.constant 0 : i32
      %dma_wait3A_456 = tpu.memref_slice %arg4[%dma_wait3A_454, %dma_wait3A_455] : memref<819200x64xf32, #tpu.memory_space<hbm>> -> memref<128x64xf32, #tpu.memory_space<hbm>>
      %dma_wait3A_457 = arith.constant 0 : i32
      %dma_wait3A_458 = arith.constant 0 : i32
      %dma_wait3A_459 = tpu.memref_slice %arg4[%dma_wait3A_457, %dma_wait3A_458] : memref<819200x64xf32, #tpu.memory_space<hbm>> -> memref<128x64xf32, #tpu.memory_space<hbm>>
      tpu.wait_dma2 semaphore(%arg27 : memref<!tpu.dma_semaphore, #tpu.memory_space<semaphore_mem>>) src(%arg11 : memref<128x64xf32, #tpu.memory_space<vmem>>) dst(%dma_wait3A_459 : memref<128x64xf32, #tpu.memory_space<hbm>>)
      %add3A_460 = arith.constant 4 : i32
      %add3A_461 = arith.addi %add3A_440, %add3A_460 : i32
      %mul3A_462 = arith.constant 128 : i32
      %mul3A_463 = arith.muli %add3A_461, %mul3A_462 : i32
      %add3A_464 = arith.constant 0 : i32
      %add3A_465 = arith.addi %mul3A_463, %add3A_464 : i32
      %dma_start3A_466 = arith.constant 0 : i32
      %dma_start3A_467 = arith.constant 0 : i32
      %dma_start3A_468 = tpu.memref_slice %arg11[%dma_start3A_466, %dma_start3A_467] : memref<128x64xf32, #tpu.memory_space<vmem>> -> memref<128x64xf32, #tpu.memory_space<vmem>>
      %dma_start3A_469 = tpu.memref_slice %arg6[%add3A_465] : memref<25600xi32, #tpu.memory_space<vmem>> -> memref<128xi32, #tpu.memory_space<vmem>>
      %dma_start3A_470 = arith.constant 0 : i32
      %dma_start3A_471 = arith.constant 0 : i32
      %dma_start3A_472 = tpu.memref_slice %arg3[%dma_start3A_470, %dma_start3A_471] : memref<100000x64xf32, #tpu.memory_space<hbm>> -> memref<100000x64xf32, #tpu.memory_space<hbm>>
      tpu.enqueue_indirect_dma source(%dma_start3A_472 : memref<100000x64xf32, #tpu.memory_space<hbm>>) target(%dma_start3A_468 : memref<128x64xf32, #tpu.memory_space<vmem>>) offsets(%dma_start3A_469 : memref<128xi32, #tpu.memory_space<vmem>>) semaphore(%arg19 : memref<!tpu.dma_semaphore, #tpu.memory_space<semaphore_mem>>)
      %mul3A_473 = arith.constant 8 : i32
      %mul3A_474 = arith.muli %scan3A_436, %mul3A_473 : i32
      %add3A_475 = arith.constant 1 : i32
      %add3A_476 = arith.addi %mul3A_474, %add3A_475 : i32
      %dma_wait3A_477 = arith.constant 0 : i32
      %dma_wait3A_478 = arith.constant 0 : i32
      %dma_wait3A_479 = tpu.memref_slice %arg4[%dma_wait3A_477, %dma_wait3A_478] : memref<819200x64xf32, #tpu.memory_space<hbm>> -> memref<128x64xf32, #tpu.memory_space<hbm>>
      %dma_wait3A_480 = arith.constant 0 : i32
      %dma_wait3A_481 = arith.constant 0 : i32
      %dma_wait3A_482 = tpu.memref_slice %arg4[%dma_wait3A_480, %dma_wait3A_481] : memref<819200x64xf32, #tpu.memory_space<hbm>> -> memref<128x64xf32, #tpu.memory_space<hbm>>
      tpu.wait_dma2 semaphore(%arg16 : memref<!tpu.dma_semaphore, #tpu.memory_space<semaphore_mem>>) src(%dma_wait3A_482 : memref<128x64xf32, #tpu.memory_space<hbm>>) dst(%arg8 : memref<128x64xf32, #tpu.memory_space<vmem>>)
      %mul3A_483 = arith.constant 128 : i32
      %mul3A_484 = arith.muli %add3A_476, %mul3A_483 : i32
      %add3A_485 = arith.addi %mul3A_2, %mul3A_484 : i32
      %dma_start3A_486 = arith.constant 0 : i32
      %dma_start3A_487 = tpu.memref_slice %arg4[%add3A_485, %dma_start3A_486] : memref<819200x64xf32, #tpu.memory_space<hbm>> -> memref<128x64xf32, #tpu.memory_space<hbm>>
      %dma_start3A_488 = arith.constant 0 : i32
      %dma_start3A_489 = tpu.memref_slice %arg4[%add3A_485, %dma_start3A_488] : memref<819200x64xf32, #tpu.memory_space<hbm>> -> memref<128x64xf32, #tpu.memory_space<hbm>>
      tpu.enqueue_dma source(%arg8 : memref<128x64xf32, #tpu.memory_space<vmem>>) target(%dma_start3A_489 : memref<128x64xf32, #tpu.memory_space<hbm>>) target_semaphore(%arg24 : memref<!tpu.dma_semaphore, #tpu.memory_space<semaphore_mem>>)
      %dma_wait3A_490 = arith.constant 0 : i32
      %dma_wait3A_491 = arith.constant 0 : i32
      %dma_wait3A_492 = tpu.memref_slice %arg4[%dma_wait3A_490, %dma_wait3A_491] : memref<819200x64xf32, #tpu.memory_space<hbm>> -> memref<128x64xf32, #tpu.memory_space<hbm>>
      %dma_wait3A_493 = arith.constant 0 : i32
      %dma_wait3A_494 = arith.constant 0 : i32
      %dma_wait3A_495 = tpu.memref_slice %arg4[%dma_wait3A_493, %dma_wait3A_494] : memref<819200x64xf32, #tpu.memory_space<hbm>> -> memref<128x64xf32, #tpu.memory_space<hbm>>
      tpu.wait_dma2 semaphore(%arg28 : memref<!tpu.dma_semaphore, #tpu.memory_space<semaphore_mem>>) src(%arg12 : memref<128x64xf32, #tpu.memory_space<vmem>>) dst(%dma_wait3A_495 : memref<128x64xf32, #tpu.memory_space<hbm>>)
      %add3A_496 = arith.constant 4 : i32
      %add3A_497 = arith.addi %add3A_476, %add3A_496 : i32
      %mul3A_498 = arith.constant 128 : i32
      %mul3A_499 = arith.muli %add3A_497, %mul3A_498 : i32
      %add3A_500 = arith.constant 0 : i32
      %add3A_501 = arith.addi %mul3A_499, %add3A_500 : i32
      %dma_start3A_502 = arith.constant 0 : i32
      %dma_start3A_503 = arith.constant 0 : i32
      %dma_start3A_504 = tpu.memref_slice %arg12[%dma_start3A_502, %dma_start3A_503] : memref<128x64xf32, #tpu.memory_space<vmem>> -> memref<128x64xf32, #tpu.memory_space<vmem>>
      %dma_start3A_505 = tpu.memref_slice %arg6[%add3A_501] : memref<25600xi32, #tpu.memory_space<vmem>> -> memref<128xi32, #tpu.memory_space<vmem>>
      %dma_start3A_506 = arith.constant 0 : i32
      %dma_start3A_507 = arith.constant 0 : i32
      %dma_start3A_508 = tpu.memref_slice %arg3[%dma_start3A_506, %dma_start3A_507] : memref<100000x64xf32, #tpu.memory_space<hbm>> -> memref<100000x64xf32, #tpu.memory_space<hbm>>
      tpu.enqueue_indirect_dma source(%dma_start3A_508 : memref<100000x64xf32, #tpu.memory_space<hbm>>) target(%dma_start3A_504 : memref<128x64xf32, #tpu.memory_space<vmem>>) offsets(%dma_start3A_505 : memref<128xi32, #tpu.memory_space<vmem>>) semaphore(%arg20 : memref<!tpu.dma_semaphore, #tpu.memory_space<semaphore_mem>>)
      %mul3A_509 = arith.constant 8 : i32
      %mul3A_510 = arith.muli %scan3A_436, %mul3A_509 : i32
      %add3A_511 = arith.constant 2 : i32
      %add3A_512 = arith.addi %mul3A_510, %add3A_511 : i32
      %dma_wait3A_513 = arith.constant 0 : i32
      %dma_wait3A_514 = arith.constant 0 : i32
      %dma_wait3A_515 = tpu.memref_slice %arg4[%dma_wait3A_513, %dma_wait3A_514] : memref<819200x64xf32, #tpu.memory_space<hbm>> -> memref<128x64xf32, #tpu.memory_space<hbm>>
      %dma_wait3A_516 = arith.constant 0 : i32
      %dma_wait3A_517 = arith.constant 0 : i32
      %dma_wait3A_518 = tpu.memref_slice %arg4[%dma_wait3A_516, %dma_wait3A_517] : memref<819200x64xf32, #tpu.memory_space<hbm>> -> memref<128x64xf32, #tpu.memory_space<hbm>>
      tpu.wait_dma2 semaphore(%arg17 : memref<!tpu.dma_semaphore, #tpu.memory_space<semaphore_mem>>) src(%dma_wait3A_518 : memref<128x64xf32, #tpu.memory_space<hbm>>) dst(%arg9 : memref<128x64xf32, #tpu.memory_space<vmem>>)
      %mul3A_519 = arith.constant 128 : i32
      %mul3A_520 = arith.muli %add3A_512, %mul3A_519 : i32
      %add3A_521 = arith.addi %mul3A_2, %mul3A_520 : i32
      %dma_start3A_522 = arith.constant 0 : i32
      %dma_start3A_523 = tpu.memref_slice %arg4[%add3A_521, %dma_start3A_522] : memref<819200x64xf32, #tpu.memory_space<hbm>> -> memref<128x64xf32, #tpu.memory_space<hbm>>
      %dma_start3A_524 = arith.constant 0 : i32
      %dma_start3A_525 = tpu.memref_slice %arg4[%add3A_521, %dma_start3A_524] : memref<819200x64xf32, #tpu.memory_space<hbm>> -> memref<128x64xf32, #tpu.memory_space<hbm>>
      tpu.enqueue_dma source(%arg9 : memref<128x64xf32, #tpu.memory_space<vmem>>) target(%dma_start3A_525 : memref<128x64xf32, #tpu.memory_space<hbm>>) target_semaphore(%arg25 : memref<!tpu.dma_semaphore, #tpu.memory_space<semaphore_mem>>)
      %dma_wait3A_526 = arith.constant 0 : i32
      %dma_wait3A_527 = arith.constant 0 : i32
      %dma_wait3A_528 = tpu.memref_slice %arg4[%dma_wait3A_526, %dma_wait3A_527] : memref<819200x64xf32, #tpu.memory_space<hbm>> -> memref<128x64xf32, #tpu.memory_space<hbm>>
      %dma_wait3A_529 = arith.constant 0 : i32
      %dma_wait3A_530 = arith.constant 0 : i32
      %dma_wait3A_531 = tpu.memref_slice %arg4[%dma_wait3A_529, %dma_wait3A_530] : memref<819200x64xf32, #tpu.memory_space<hbm>> -> memref<128x64xf32, #tpu.memory_space<hbm>>
      tpu.wait_dma2 semaphore(%arg29 : memref<!tpu.dma_semaphore, #tpu.memory_space<semaphore_mem>>) src(%arg13 : memref<128x64xf32, #tpu.memory_space<vmem>>) dst(%dma_wait3A_531 : memref<128x64xf32, #tpu.memory_space<hbm>>)
      %add3A_532 = arith.constant 4 : i32
      %add3A_533 = arith.addi %add3A_512, %add3A_532 : i32
      %mul3A_534 = arith.constant 128 : i32
      %mul3A_535 = arith.muli %add3A_533, %mul3A_534 : i32
      %add3A_536 = arith.constant 0 : i32
      %add3A_537 = arith.addi %mul3A_535, %add3A_536 : i32
      %dma_start3A_538 = arith.constant 0 : i32
      %dma_start3A_539 = arith.constant 0 : i32
      %dma_start3A_540 = tpu.memref_slice %arg13[%dma_start3A_538, %dma_start3A_539] : memref<128x64xf32, #tpu.memory_space<vmem>> -> memref<128x64xf32, #tpu.memory_space<vmem>>
      %dma_start3A_541 = tpu.memref_slice %arg6[%add3A_537] : memref<25600xi32, #tpu.memory_space<vmem>> -> memref<128xi32, #tpu.memory_space<vmem>>
      %dma_start3A_542 = arith.constant 0 : i32
      %dma_start3A_543 = arith.constant 0 : i32
      %dma_start3A_544 = tpu.memref_slice %arg3[%dma_start3A_542, %dma_start3A_543] : memref<100000x64xf32, #tpu.memory_space<hbm>> -> memref<100000x64xf32, #tpu.memory_space<hbm>>
      tpu.enqueue_indirect_dma source(%dma_start3A_544 : memref<100000x64xf32, #tpu.memory_space<hbm>>) target(%dma_start3A_540 : memref<128x64xf32, #tpu.memory_space<vmem>>) offsets(%dma_start3A_541 : memref<128xi32, #tpu.memory_space<vmem>>) semaphore(%arg21 : memref<!tpu.dma_semaphore, #tpu.memory_space<semaphore_mem>>)
      %mul3A_545 = arith.constant 8 : i32
      %mul3A_546 = arith.muli %scan3A_436, %mul3A_545 : i32
      %add3A_547 = arith.constant 3 : i32
      %add3A_548 = arith.addi %mul3A_546, %add3A_547 : i32
      %dma_wait3A_549 = arith.constant 0 : i32
      %dma_wait3A_550 = arith.constant 0 : i32
      %dma_wait3A_551 = tpu.memref_slice %arg4[%dma_wait3A_549, %dma_wait3A_550] : memref<819200x64xf32, #tpu.memory_space<hbm>> -> memref<128x64xf32, #tpu.memory_space<hbm>>
      %dma_wait3A_552 = arith.constant 0 : i32
      %dma_wait3A_553 = arith.constant 0 : i32
      %dma_wait3A_554 = tpu.memref_slice %arg4[%dma_wait3A_552, %dma_wait3A_553] : memref<819200x64xf32, #tpu.memory_space<hbm>> -> memref<128x64xf32, #tpu.memory_space<hbm>>
      tpu.wait_dma2 semaphore(%arg18 : memref<!tpu.dma_semaphore, #tpu.memory_space<semaphore_mem>>) src(%dma_wait3A_554 : memref<128x64xf32, #tpu.memory_space<hbm>>) dst(%arg10 : memref<128x64xf32, #tpu.memory_space<vmem>>)
      %mul3A_555 = arith.constant 128 : i32
      %mul3A_556 = arith.muli %add3A_548, %mul3A_555 : i32
      %add3A_557 = arith.addi %mul3A_2, %mul3A_556 : i32
      %dma_start3A_558 = arith.constant 0 : i32
      %dma_start3A_559 = tpu.memref_slice %arg4[%add3A_557, %dma_start3A_558] : memref<819200x64xf32, #tpu.memory_space<hbm>> -> memref<128x64xf32, #tpu.memory_space<hbm>>
      %dma_start3A_560 = arith.constant 0 : i32
      %dma_start3A_561 = tpu.memref_slice %arg4[%add3A_557, %dma_start3A_560] : memref<819200x64xf32, #tpu.memory_space<hbm>> -> memref<128x64xf32, #tpu.memory_space<hbm>>
      tpu.enqueue_dma source(%arg10 : memref<128x64xf32, #tpu.memory_space<vmem>>) target(%dma_start3A_561 : memref<128x64xf32, #tpu.memory_space<hbm>>) target_semaphore(%arg26 : memref<!tpu.dma_semaphore, #tpu.memory_space<semaphore_mem>>)
      %dma_wait3A_562 = arith.constant 0 : i32
      %dma_wait3A_563 = arith.constant 0 : i32
      %dma_wait3A_564 = tpu.memref_slice %arg4[%dma_wait3A_562, %dma_wait3A_563] : memref<819200x64xf32, #tpu.memory_space<hbm>> -> memref<128x64xf32, #tpu.memory_space<hbm>>
      %dma_wait3A_565 = arith.constant 0 : i32
      %dma_wait3A_566 = arith.constant 0 : i32
      %dma_wait3A_567 = tpu.memref_slice %arg4[%dma_wait3A_565, %dma_wait3A_566] : memref<819200x64xf32, #tpu.memory_space<hbm>> -> memref<128x64xf32, #tpu.memory_space<hbm>>
      tpu.wait_dma2 semaphore(%arg30 : memref<!tpu.dma_semaphore, #tpu.memory_space<semaphore_mem>>) src(%arg14 : memref<128x64xf32, #tpu.memory_space<vmem>>) dst(%dma_wait3A_567 : memref<128x64xf32, #tpu.memory_space<hbm>>)
      %add3A_568 = arith.constant 4 : i32
      %add3A_569 = arith.addi %add3A_548, %add3A_568 : i32
      %mul3A_570 = arith.constant 128 : i32
      %mul3A_571 = arith.muli %add3A_569, %mul3A_570 : i32
      %add3A_572 = arith.constant 0 : i32
      %add3A_573 = arith.addi %mul3A_571, %add3A_572 : i32
      %dma_start3A_574 = arith.constant 0 : i32
      %dma_start3A_575 = arith.constant 0 : i32
      %dma_start3A_576 = tpu.memref_slice %arg14[%dma_start3A_574, %dma_start3A_575] : memref<128x64xf32, #tpu.memory_space<vmem>> -> memref<128x64xf32, #tpu.memory_space<vmem>>
      %dma_start3A_577 = tpu.memref_slice %arg6[%add3A_573] : memref<25600xi32, #tpu.memory_space<vmem>> -> memref<128xi32, #tpu.memory_space<vmem>>
      %dma_start3A_578 = arith.constant 0 : i32
      %dma_start3A_579 = arith.constant 0 : i32
      %dma_start3A_580 = tpu.memref_slice %arg3[%dma_start3A_578, %dma_start3A_579] : memref<100000x64xf32, #tpu.memory_space<hbm>> -> memref<100000x64xf32, #tpu.memory_space<hbm>>
      tpu.enqueue_indirect_dma source(%dma_start3A_580 : memref<100000x64xf32, #tpu.memory_space<hbm>>) target(%dma_start3A_576 : memref<128x64xf32, #tpu.memory_space<vmem>>) offsets(%dma_start3A_577 : memref<128xi32, #tpu.memory_space<vmem>>) semaphore(%arg22 : memref<!tpu.dma_semaphore, #tpu.memory_space<semaphore_mem>>)
      %mul3A_581 = arith.constant 8 : i32
      %mul3A_582 = arith.muli %scan3A_436, %mul3A_581 : i32
      %add3A_583 = arith.constant 4 : i32
      %add3A_584 = arith.addi %mul3A_582, %add3A_583 : i32
      %dma_wait3A_585 = arith.constant 0 : i32
      %dma_wait3A_586 = arith.constant 0 : i32
      %dma_wait3A_587 = tpu.memref_slice %arg4[%dma_wait3A_585, %dma_wait3A_586] : memref<819200x64xf32, #tpu.memory_space<hbm>> -> memref<128x64xf32, #tpu.memory_space<hbm>>
      %dma_wait3A_588 = arith.constant 0 : i32
      %dma_wait3A_589 = arith.constant 0 : i32
      %dma_wait3A_590 = tpu.memref_slice %arg4[%dma_wait3A_588, %dma_wait3A_589] : memref<819200x64xf32, #tpu.memory_space<hbm>> -> memref<128x64xf32, #tpu.memory_space<hbm>>
      tpu.wait_dma2 semaphore(%arg19 : memref<!tpu.dma_semaphore, #tpu.memory_space<semaphore_mem>>) src(%dma_wait3A_590 : memref<128x64xf32, #tpu.memory_space<hbm>>) dst(%arg11 : memref<128x64xf32, #tpu.memory_space<vmem>>)
      %mul3A_591 = arith.constant 128 : i32
      %mul3A_592 = arith.muli %add3A_584, %mul3A_591 : i32
      %add3A_593 = arith.addi %mul3A_2, %mul3A_592 : i32
      %dma_start3A_594 = arith.constant 0 : i32
      %dma_start3A_595 = tpu.memref_slice %arg4[%add3A_593, %dma_start3A_594] : memref<819200x64xf32, #tpu.memory_space<hbm>> -> memref<128x64xf32, #tpu.memory_space<hbm>>
      %dma_start3A_596 = arith.constant 0 : i32
      %dma_start3A_597 = tpu.memref_slice %arg4[%add3A_593, %dma_start3A_596] : memref<819200x64xf32, #tpu.memory_space<hbm>> -> memref<128x64xf32, #tpu.memory_space<hbm>>
      tpu.enqueue_dma source(%arg11 : memref<128x64xf32, #tpu.memory_space<vmem>>) target(%dma_start3A_597 : memref<128x64xf32, #tpu.memory_space<hbm>>) target_semaphore(%arg27 : memref<!tpu.dma_semaphore, #tpu.memory_space<semaphore_mem>>)
      %dma_wait3A_598 = arith.constant 0 : i32
      %dma_wait3A_599 = arith.constant 0 : i32
      %dma_wait3A_600 = tpu.memref_slice %arg4[%dma_wait3A_598, %dma_wait3A_599] : memref<819200x64xf32, #tpu.memory_space<hbm>> -> memref<128x64xf32, #tpu.memory_space<hbm>>
      %dma_wait3A_601 = arith.constant 0 : i32
      %dma_wait3A_602 = arith.constant 0 : i32
      %dma_wait3A_603 = tpu.memref_slice %arg4[%dma_wait3A_601, %dma_wait3A_602] : memref<819200x64xf32, #tpu.memory_space<hbm>> -> memref<128x64xf32, #tpu.memory_space<hbm>>
      tpu.wait_dma2 semaphore(%arg23 : memref<!tpu.dma_semaphore, #tpu.memory_space<semaphore_mem>>) src(%arg7 : memref<128x64xf32, #tpu.memory_space<vmem>>) dst(%dma_wait3A_603 : memref<128x64xf32, #tpu.memory_space<hbm>>)
      %add3A_604 = arith.constant 4 : i32
      %add3A_605 = arith.addi %add3A_584, %add3A_604 : i32
      %mul3A_606 = arith.constant 128 : i32
      %mul3A_607 = arith.muli %add3A_605, %mul3A_606 : i32
      %add3A_608 = arith.constant 0 : i32
      %add3A_609 = arith.addi %mul3A_607, %add3A_608 : i32
      %dma_start3A_610 = arith.constant 0 : i32
      %dma_start3A_611 = arith.constant 0 : i32
      %dma_start3A_612 = tpu.memref_slice %arg7[%dma_start3A_610, %dma_start3A_611] : memref<128x64xf32, #tpu.memory_space<vmem>> -> memref<128x64xf32, #tpu.memory_space<vmem>>
      %dma_start3A_613 = tpu.memref_slice %arg6[%add3A_609] : memref<25600xi32, #tpu.memory_space<vmem>> -> memref<128xi32, #tpu.memory_space<vmem>>
      %dma_start3A_614 = arith.constant 0 : i32
      %dma_start3A_615 = arith.constant 0 : i32
      %dma_start3A_616 = tpu.memref_slice %arg3[%dma_start3A_614, %dma_start3A_615] : memref<100000x64xf32, #tpu.memory_space<hbm>> -> memref<100000x64xf32, #tpu.memory_space<hbm>>
      tpu.enqueue_indirect_dma source(%dma_start3A_616 : memref<100000x64xf32, #tpu.memory_space<hbm>>) target(%dma_start3A_612 : memref<128x64xf32, #tpu.memory_space<vmem>>) offsets(%dma_start3A_613 : memref<128xi32, #tpu.memory_space<vmem>>) semaphore(%arg15 : memref<!tpu.dma_semaphore, #tpu.memory_space<semaphore_mem>>)
      %mul3A_617 = arith.constant 8 : i32
      %mul3A_618 = arith.muli %scan3A_436, %mul3A_617 : i32
      %add3A_619 = arith.constant 5 : i32
      %add3A_620 = arith.addi %mul3A_618, %add3A_619 : i32
      %dma_wait3A_621 = arith.constant 0 : i32
      %dma_wait3A_622 = arith.constant 0 : i32
      %dma_wait3A_623 = tpu.memref_slice %arg4[%dma_wait3A_621, %dma_wait3A_622] : memref<819200x64xf32, #tpu.memory_space<hbm>> -> memref<128x64xf32, #tpu.memory_space<hbm>>
      %dma_wait3A_624 = arith.constant 0 : i32
      %dma_wait3A_625 = arith.constant 0 : i32
      %dma_wait3A_626 = tpu.memref_slice %arg4[%dma_wait3A_624, %dma_wait3A_625] : memref<819200x64xf32, #tpu.memory_space<hbm>> -> memref<128x64xf32, #tpu.memory_space<hbm>>
      tpu.wait_dma2 semaphore(%arg20 : memref<!tpu.dma_semaphore, #tpu.memory_space<semaphore_mem>>) src(%dma_wait3A_626 : memref<128x64xf32, #tpu.memory_space<hbm>>) dst(%arg12 : memref<128x64xf32, #tpu.memory_space<vmem>>)
      %mul3A_627 = arith.constant 128 : i32
      %mul3A_628 = arith.muli %add3A_620, %mul3A_627 : i32
      %add3A_629 = arith.addi %mul3A_2, %mul3A_628 : i32
      %dma_start3A_630 = arith.constant 0 : i32
      %dma_start3A_631 = tpu.memref_slice %arg4[%add3A_629, %dma_start3A_630] : memref<819200x64xf32, #tpu.memory_space<hbm>> -> memref<128x64xf32, #tpu.memory_space<hbm>>
      %dma_start3A_632 = arith.constant 0 : i32
      %dma_start3A_633 = tpu.memref_slice %arg4[%add3A_629, %dma_start3A_632] : memref<819200x64xf32, #tpu.memory_space<hbm>> -> memref<128x64xf32, #tpu.memory_space<hbm>>
      tpu.enqueue_dma source(%arg12 : memref<128x64xf32, #tpu.memory_space<vmem>>) target(%dma_start3A_633 : memref<128x64xf32, #tpu.memory_space<hbm>>) target_semaphore(%arg28 : memref<!tpu.dma_semaphore, #tpu.memory_space<semaphore_mem>>)
      %dma_wait3A_634 = arith.constant 0 : i32
      %dma_wait3A_635 = arith.constant 0 : i32
      %dma_wait3A_636 = tpu.memref_slice %arg4[%dma_wait3A_634, %dma_wait3A_635] : memref<819200x64xf32, #tpu.memory_space<hbm>> -> memref<128x64xf32, #tpu.memory_space<hbm>>
      %dma_wait3A_637 = arith.constant 0 : i32
      %dma_wait3A_638 = arith.constant 0 : i32
      %dma_wait3A_639 = tpu.memref_slice %arg4[%dma_wait3A_637, %dma_wait3A_638] : memref<819200x64xf32, #tpu.memory_space<hbm>> -> memref<128x64xf32, #tpu.memory_space<hbm>>
      tpu.wait_dma2 semaphore(%arg24 : memref<!tpu.dma_semaphore, #tpu.memory_space<semaphore_mem>>) src(%arg8 : memref<128x64xf32, #tpu.memory_space<vmem>>) dst(%dma_wait3A_639 : memref<128x64xf32, #tpu.memory_space<hbm>>)
      %add3A_640 = arith.constant 4 : i32
      %add3A_641 = arith.addi %add3A_620, %add3A_640 : i32
      %mul3A_642 = arith.constant 128 : i32
      %mul3A_643 = arith.muli %add3A_641, %mul3A_642 : i32
      %add3A_644 = arith.constant 0 : i32
      %add3A_645 = arith.addi %mul3A_643, %add3A_644 : i32
      %dma_start3A_646 = arith.constant 0 : i32
      %dma_start3A_647 = arith.constant 0 : i32
      %dma_start3A_648 = tpu.memref_slice %arg8[%dma_start3A_646, %dma_start3A_647] : memref<128x64xf32, #tpu.memory_space<vmem>> -> memref<128x64xf32, #tpu.memory_space<vmem>>
      %dma_start3A_649 = tpu.memref_slice %arg6[%add3A_645] : memref<25600xi32, #tpu.memory_space<vmem>> -> memref<128xi32, #tpu.memory_space<vmem>>
      %dma_start3A_650 = arith.constant 0 : i32
      %dma_start3A_651 = arith.constant 0 : i32
      %dma_start3A_652 = tpu.memref_slice %arg3[%dma_start3A_650, %dma_start3A_651] : memref<100000x64xf32, #tpu.memory_space<hbm>> -> memref<100000x64xf32, #tpu.memory_space<hbm>>
      tpu.enqueue_indirect_dma source(%dma_start3A_652 : memref<100000x64xf32, #tpu.memory_space<hbm>>) target(%dma_start3A_648 : memref<128x64xf32, #tpu.memory_space<vmem>>) offsets(%dma_start3A_649 : memref<128xi32, #tpu.memory_space<vmem>>) semaphore(%arg16 : memref<!tpu.dma_semaphore, #tpu.memory_space<semaphore_mem>>)
      %mul3A_653 = arith.constant 8 : i32
      %mul3A_654 = arith.muli %scan3A_436, %mul3A_653 : i32
      %add3A_655 = arith.constant 6 : i32
      %add3A_656 = arith.addi %mul3A_654, %add3A_655 : i32
      %dma_wait3A_657 = arith.constant 0 : i32
      %dma_wait3A_658 = arith.constant 0 : i32
      %dma_wait3A_659 = tpu.memref_slice %arg4[%dma_wait3A_657, %dma_wait3A_658] : memref<819200x64xf32, #tpu.memory_space<hbm>> -> memref<128x64xf32, #tpu.memory_space<hbm>>
      %dma_wait3A_660 = arith.constant 0 : i32
      %dma_wait3A_661 = arith.constant 0 : i32
      %dma_wait3A_662 = tpu.memref_slice %arg4[%dma_wait3A_660, %dma_wait3A_661] : memref<819200x64xf32, #tpu.memory_space<hbm>> -> memref<128x64xf32, #tpu.memory_space<hbm>>
      tpu.wait_dma2 semaphore(%arg21 : memref<!tpu.dma_semaphore, #tpu.memory_space<semaphore_mem>>) src(%dma_wait3A_662 : memref<128x64xf32, #tpu.memory_space<hbm>>) dst(%arg13 : memref<128x64xf32, #tpu.memory_space<vmem>>)
      %mul3A_663 = arith.constant 128 : i32
      %mul3A_664 = arith.muli %add3A_656, %mul3A_663 : i32
      %add3A_665 = arith.addi %mul3A_2, %mul3A_664 : i32
      %dma_start3A_666 = arith.constant 0 : i32
      %dma_start3A_667 = tpu.memref_slice %arg4[%add3A_665, %dma_start3A_666] : memref<819200x64xf32, #tpu.memory_space<hbm>> -> memref<128x64xf32, #tpu.memory_space<hbm>>
      %dma_start3A_668 = arith.constant 0 : i32
      %dma_start3A_669 = tpu.memref_slice %arg4[%add3A_665, %dma_start3A_668] : memref<819200x64xf32, #tpu.memory_space<hbm>> -> memref<128x64xf32, #tpu.memory_space<hbm>>
      tpu.enqueue_dma source(%arg13 : memref<128x64xf32, #tpu.memory_space<vmem>>) target(%dma_start3A_669 : memref<128x64xf32, #tpu.memory_space<hbm>>) target_semaphore(%arg29 : memref<!tpu.dma_semaphore, #tpu.memory_space<semaphore_mem>>)
      %dma_wait3A_670 = arith.constant 0 : i32
      %dma_wait3A_671 = arith.constant 0 : i32
      %dma_wait3A_672 = tpu.memref_slice %arg4[%dma_wait3A_670, %dma_wait3A_671] : memref<819200x64xf32, #tpu.memory_space<hbm>> -> memref<128x64xf32, #tpu.memory_space<hbm>>
      %dma_wait3A_673 = arith.constant 0 : i32
      %dma_wait3A_674 = arith.constant 0 : i32
      %dma_wait3A_675 = tpu.memref_slice %arg4[%dma_wait3A_673, %dma_wait3A_674] : memref<819200x64xf32, #tpu.memory_space<hbm>> -> memref<128x64xf32, #tpu.memory_space<hbm>>
      tpu.wait_dma2 semaphore(%arg25 : memref<!tpu.dma_semaphore, #tpu.memory_space<semaphore_mem>>) src(%arg9 : memref<128x64xf32, #tpu.memory_space<vmem>>) dst(%dma_wait3A_675 : memref<128x64xf32, #tpu.memory_space<hbm>>)
      %add3A_676 = arith.constant 4 : i32
      %add3A_677 = arith.addi %add3A_656, %add3A_676 : i32
      %mul3A_678 = arith.constant 128 : i32
      %mul3A_679 = arith.muli %add3A_677, %mul3A_678 : i32
      %add3A_680 = arith.constant 0 : i32
      %add3A_681 = arith.addi %mul3A_679, %add3A_680 : i32
      %dma_start3A_682 = arith.constant 0 : i32
      %dma_start3A_683 = arith.constant 0 : i32
      %dma_start3A_684 = tpu.memref_slice %arg9[%dma_start3A_682, %dma_start3A_683] : memref<128x64xf32, #tpu.memory_space<vmem>> -> memref<128x64xf32, #tpu.memory_space<vmem>>
      %dma_start3A_685 = tpu.memref_slice %arg6[%add3A_681] : memref<25600xi32, #tpu.memory_space<vmem>> -> memref<128xi32, #tpu.memory_space<vmem>>
      %dma_start3A_686 = arith.constant 0 : i32
      %dma_start3A_687 = arith.constant 0 : i32
      %dma_start3A_688 = tpu.memref_slice %arg3[%dma_start3A_686, %dma_start3A_687] : memref<100000x64xf32, #tpu.memory_space<hbm>> -> memref<100000x64xf32, #tpu.memory_space<hbm>>
      tpu.enqueue_indirect_dma source(%dma_start3A_688 : memref<100000x64xf32, #tpu.memory_space<hbm>>) target(%dma_start3A_684 : memref<128x64xf32, #tpu.memory_space<vmem>>) offsets(%dma_start3A_685 : memref<128xi32, #tpu.memory_space<vmem>>) semaphore(%arg17 : memref<!tpu.dma_semaphore, #tpu.memory_space<semaphore_mem>>)
      %mul3A_689 = arith.constant 8 : i32
      %mul3A_690 = arith.muli %scan3A_436, %mul3A_689 : i32
      %add3A_691 = arith.constant 7 : i32
      %add3A_692 = arith.addi %mul3A_690, %add3A_691 : i32
      %dma_wait3A_693 = arith.constant 0 : i32
      %dma_wait3A_694 = arith.constant 0 : i32
      %dma_wait3A_695 = tpu.memref_slice %arg4[%dma_wait3A_693, %dma_wait3A_694] : memref<819200x64xf32, #tpu.memory_space<hbm>> -> memref<128x64xf32, #tpu.memory_space<hbm>>
      %dma_wait3A_696 = arith.constant 0 : i32
      %dma_wait3A_697 = arith.constant 0 : i32
      %dma_wait3A_698 = tpu.memref_slice %arg4[%dma_wait3A_696, %dma_wait3A_697] : memref<819200x64xf32, #tpu.memory_space<hbm>> -> memref<128x64xf32, #tpu.memory_space<hbm>>
      tpu.wait_dma2 semaphore(%arg22 : memref<!tpu.dma_semaphore, #tpu.memory_space<semaphore_mem>>) src(%dma_wait3A_698 : memref<128x64xf32, #tpu.memory_space<hbm>>) dst(%arg14 : memref<128x64xf32, #tpu.memory_space<vmem>>)
      %mul3A_699 = arith.constant 128 : i32
      %mul3A_700 = arith.muli %add3A_692, %mul3A_699 : i32
      %add3A_701 = arith.addi %mul3A_2, %mul3A_700 : i32
      %dma_start3A_702 = arith.constant 0 : i32
      %dma_start3A_703 = tpu.memref_slice %arg4[%add3A_701, %dma_start3A_702] : memref<819200x64xf32, #tpu.memory_space<hbm>> -> memref<128x64xf32, #tpu.memory_space<hbm>>
      %dma_start3A_704 = arith.constant 0 : i32
      %dma_start3A_705 = tpu.memref_slice %arg4[%add3A_701, %dma_start3A_704] : memref<819200x64xf32, #tpu.memory_space<hbm>> -> memref<128x64xf32, #tpu.memory_space<hbm>>
      tpu.enqueue_dma source(%arg14 : memref<128x64xf32, #tpu.memory_space<vmem>>) target(%dma_start3A_705 : memref<128x64xf32, #tpu.memory_space<hbm>>) target_semaphore(%arg30 : memref<!tpu.dma_semaphore, #tpu.memory_space<semaphore_mem>>)
      %dma_wait3A_706 = arith.constant 0 : i32
      %dma_wait3A_707 = arith.constant 0 : i32
      %dma_wait3A_708 = tpu.memref_slice %arg4[%dma_wait3A_706, %dma_wait3A_707] : memref<819200x64xf32, #tpu.memory_space<hbm>> -> memref<128x64xf32, #tpu.memory_space<hbm>>
      %dma_wait3A_709 = arith.constant 0 : i32
      %dma_wait3A_710 = arith.constant 0 : i32
      %dma_wait3A_711 = tpu.memref_slice %arg4[%dma_wait3A_709, %dma_wait3A_710] : memref<819200x64xf32, #tpu.memory_space<hbm>> -> memref<128x64xf32, #tpu.memory_space<hbm>>
      tpu.wait_dma2 semaphore(%arg26 : memref<!tpu.dma_semaphore, #tpu.memory_space<semaphore_mem>>) src(%arg10 : memref<128x64xf32, #tpu.memory_space<vmem>>) dst(%dma_wait3A_711 : memref<128x64xf32, #tpu.memory_space<hbm>>)
      %add3A_712 = arith.constant 4 : i32
      %add3A_713 = arith.addi %add3A_692, %add3A_712 : i32
      %mul3A_714 = arith.constant 128 : i32
      %mul3A_715 = arith.muli %add3A_713, %mul3A_714 : i32
      %add3A_716 = arith.constant 0 : i32
      %add3A_717 = arith.addi %mul3A_715, %add3A_716 : i32
      %dma_start3A_718 = arith.constant 0 : i32
      %dma_start3A_719 = arith.constant 0 : i32
      %dma_start3A_720 = tpu.memref_slice %arg10[%dma_start3A_718, %dma_start3A_719] : memref<128x64xf32, #tpu.memory_space<vmem>> -> memref<128x64xf32, #tpu.memory_space<vmem>>
      %dma_start3A_721 = tpu.memref_slice %arg6[%add3A_717] : memref<25600xi32, #tpu.memory_space<vmem>> -> memref<128xi32, #tpu.memory_space<vmem>>
      %dma_start3A_722 = arith.constant 0 : i32
      %dma_start3A_723 = arith.constant 0 : i32
      %dma_start3A_724 = tpu.memref_slice %arg3[%dma_start3A_722, %dma_start3A_723] : memref<100000x64xf32, #tpu.memory_space<hbm>> -> memref<100000x64xf32, #tpu.memory_space<hbm>>
      tpu.enqueue_indirect_dma source(%dma_start3A_724 : memref<100000x64xf32, #tpu.memory_space<hbm>>) target(%dma_start3A_720 : memref<128x64xf32, #tpu.memory_space<vmem>>) offsets(%dma_start3A_721 : memref<128xi32, #tpu.memory_space<vmem>>) semaphore(%arg18 : memref<!tpu.dma_semaphore, #tpu.memory_space<semaphore_mem>>)
    }
    %scan3A_235 = arith.constant 23 : i32
    %dma_wait3A_236 = arith.constant 0 : i32
    %dma_wait3A_237 = arith.constant 0 : i32
    %dma_wait3A_238 = tpu.memref_slice %arg4[%dma_wait3A_236, %dma_wait3A_237] : memref<819200x64xf32, #tpu.memory_space<hbm>> -> memref<128x64xf32, #tpu.memory_space<hbm>>
    %dma_wait3A_239 = arith.constant 0 : i32
    %dma_wait3A_240 = arith.constant 0 : i32
    %dma_wait3A_241 = tpu.memref_slice %arg4[%dma_wait3A_239, %dma_wait3A_240] : memref<819200x64xf32, #tpu.memory_space<hbm>> -> memref<128x64xf32, #tpu.memory_space<hbm>>
    tpu.wait_dma2 semaphore(%arg15 : memref<!tpu.dma_semaphore, #tpu.memory_space<semaphore_mem>>) src(%dma_wait3A_241 : memref<128x64xf32, #tpu.memory_space<hbm>>) dst(%arg7 : memref<128x64xf32, #tpu.memory_space<vmem>>)
    %add3A_242 = arith.constant 24576 : i32
    %add3A_243 = arith.addi %mul3A_2, %add3A_242 : i32
    %dma_start3A_244 = arith.constant 0 : i32
    %dma_start3A_245 = tpu.memref_slice %arg4[%add3A_243, %dma_start3A_244] : memref<819200x64xf32, #tpu.memory_space<hbm>> -> memref<128x64xf32, #tpu.memory_space<hbm>>
    %dma_start3A_246 = arith.constant 0 : i32
    %dma_start3A_247 = tpu.memref_slice %arg4[%add3A_243, %dma_start3A_246] : memref<819200x64xf32, #tpu.memory_space<hbm>> -> memref<128x64xf32, #tpu.memory_space<hbm>>
    tpu.enqueue_dma source(%arg7 : memref<128x64xf32, #tpu.memory_space<vmem>>) target(%dma_start3A_247 : memref<128x64xf32, #tpu.memory_space<hbm>>) target_semaphore(%arg23 : memref<!tpu.dma_semaphore, #tpu.memory_space<semaphore_mem>>)
    %dma_wait3A_248 = arith.constant 0 : i32
    %dma_wait3A_249 = arith.constant 0 : i32
    %dma_wait3A_250 = tpu.memref_slice %arg4[%dma_wait3A_248, %dma_wait3A_249] : memref<819200x64xf32, #tpu.memory_space<hbm>> -> memref<128x64xf32, #tpu.memory_space<hbm>>
    %dma_wait3A_251 = arith.constant 0 : i32
    %dma_wait3A_252 = arith.constant 0 : i32
    %dma_wait3A_253 = tpu.memref_slice %arg4[%dma_wait3A_251, %dma_wait3A_252] : memref<819200x64xf32, #tpu.memory_space<hbm>> -> memref<128x64xf32, #tpu.memory_space<hbm>>
    tpu.wait_dma2 semaphore(%arg27 : memref<!tpu.dma_semaphore, #tpu.memory_space<semaphore_mem>>) src(%arg11 : memref<128x64xf32, #tpu.memory_space<vmem>>) dst(%dma_wait3A_253 : memref<128x64xf32, #tpu.memory_space<hbm>>)
    %dma_start3A_254 = arith.constant 0 : i32
    %dma_start3A_255 = arith.constant 0 : i32
    %dma_start3A_256 = tpu.memref_slice %arg11[%dma_start3A_254, %dma_start3A_255] : memref<128x64xf32, #tpu.memory_space<vmem>> -> memref<128x64xf32, #tpu.memory_space<vmem>>
    %dma_start3A_257 = arith.constant 25088 : i32
    %dma_start3A_258 = tpu.memref_slice %arg6[%dma_start3A_257] : memref<25600xi32, #tpu.memory_space<vmem>> -> memref<128xi32, #tpu.memory_space<vmem>>
    %dma_start3A_259 = arith.constant 0 : i32
    %dma_start3A_260 = arith.constant 0 : i32
    %dma_start3A_261 = tpu.memref_slice %arg3[%dma_start3A_259, %dma_start3A_260] : memref<100000x64xf32, #tpu.memory_space<hbm>> -> memref<100000x64xf32, #tpu.memory_space<hbm>>
    tpu.enqueue_indirect_dma source(%dma_start3A_261 : memref<100000x64xf32, #tpu.memory_space<hbm>>) target(%dma_start3A_256 : memref<128x64xf32, #tpu.memory_space<vmem>>) offsets(%dma_start3A_258 : memref<128xi32, #tpu.memory_space<vmem>>) semaphore(%arg19 : memref<!tpu.dma_semaphore, #tpu.memory_space<semaphore_mem>>)
    %dma_wait3A_262 = arith.constant 0 : i32
    %dma_wait3A_263 = arith.constant 0 : i32
    %dma_wait3A_264 = tpu.memref_slice %arg4[%dma_wait3A_262, %dma_wait3A_263] : memref<819200x64xf32, #tpu.memory_space<hbm>> -> memref<128x64xf32, #tpu.memory_space<hbm>>
    %dma_wait3A_265 = arith.constant 0 : i32
    %dma_wait3A_266 = arith.constant 0 : i32
    %dma_wait3A_267 = tpu.memref_slice %arg4[%dma_wait3A_265, %dma_wait3A_266] : memref<819200x64xf32, #tpu.memory_space<hbm>> -> memref<128x64xf32, #tpu.memory_space<hbm>>
    tpu.wait_dma2 semaphore(%arg16 : memref<!tpu.dma_semaphore, #tpu.memory_space<semaphore_mem>>) src(%dma_wait3A_267 : memref<128x64xf32, #tpu.memory_space<hbm>>) dst(%arg8 : memref<128x64xf32, #tpu.memory_space<vmem>>)
    %add3A_268 = arith.constant 24704 : i32
    %add3A_269 = arith.addi %mul3A_2, %add3A_268 : i32
    %dma_start3A_270 = arith.constant 0 : i32
    %dma_start3A_271 = tpu.memref_slice %arg4[%add3A_269, %dma_start3A_270] : memref<819200x64xf32, #tpu.memory_space<hbm>> -> memref<128x64xf32, #tpu.memory_space<hbm>>
    %dma_start3A_272 = arith.constant 0 : i32
    %dma_start3A_273 = tpu.memref_slice %arg4[%add3A_269, %dma_start3A_272] : memref<819200x64xf32, #tpu.memory_space<hbm>> -> memref<128x64xf32, #tpu.memory_space<hbm>>
    tpu.enqueue_dma source(%arg8 : memref<128x64xf32, #tpu.memory_space<vmem>>) target(%dma_start3A_273 : memref<128x64xf32, #tpu.memory_space<hbm>>) target_semaphore(%arg24 : memref<!tpu.dma_semaphore, #tpu.memory_space<semaphore_mem>>)
    %dma_wait3A_274 = arith.constant 0 : i32
    %dma_wait3A_275 = arith.constant 0 : i32
    %dma_wait3A_276 = tpu.memref_slice %arg4[%dma_wait3A_274, %dma_wait3A_275] : memref<819200x64xf32, #tpu.memory_space<hbm>> -> memref<128x64xf32, #tpu.memory_space<hbm>>
    %dma_wait3A_277 = arith.constant 0 : i32
    %dma_wait3A_278 = arith.constant 0 : i32
    %dma_wait3A_279 = tpu.memref_slice %arg4[%dma_wait3A_277, %dma_wait3A_278] : memref<819200x64xf32, #tpu.memory_space<hbm>> -> memref<128x64xf32, #tpu.memory_space<hbm>>
    tpu.wait_dma2 semaphore(%arg28 : memref<!tpu.dma_semaphore, #tpu.memory_space<semaphore_mem>>) src(%arg12 : memref<128x64xf32, #tpu.memory_space<vmem>>) dst(%dma_wait3A_279 : memref<128x64xf32, #tpu.memory_space<hbm>>)
    %dma_start3A_280 = arith.constant 0 : i32
    %dma_start3A_281 = arith.constant 0 : i32
    %dma_start3A_282 = tpu.memref_slice %arg12[%dma_start3A_280, %dma_start3A_281] : memref<128x64xf32, #tpu.memory_space<vmem>> -> memref<128x64xf32, #tpu.memory_space<vmem>>
    %dma_start3A_283 = arith.constant 25216 : i32
    %dma_start3A_284 = tpu.memref_slice %arg6[%dma_start3A_283] : memref<25600xi32, #tpu.memory_space<vmem>> -> memref<128xi32, #tpu.memory_space<vmem>>
    %dma_start3A_285 = arith.constant 0 : i32
    %dma_start3A_286 = arith.constant 0 : i32
    %dma_start3A_287 = tpu.memref_slice %arg3[%dma_start3A_285, %dma_start3A_286] : memref<100000x64xf32, #tpu.memory_space<hbm>> -> memref<100000x64xf32, #tpu.memory_space<hbm>>
    tpu.enqueue_indirect_dma source(%dma_start3A_287 : memref<100000x64xf32, #tpu.memory_space<hbm>>) target(%dma_start3A_282 : memref<128x64xf32, #tpu.memory_space<vmem>>) offsets(%dma_start3A_284 : memref<128xi32, #tpu.memory_space<vmem>>) semaphore(%arg20 : memref<!tpu.dma_semaphore, #tpu.memory_space<semaphore_mem>>)
    %dma_wait3A_288 = arith.constant 0 : i32
    %dma_wait3A_289 = arith.constant 0 : i32
    %dma_wait3A_290 = tpu.memref_slice %arg4[%dma_wait3A_288, %dma_wait3A_289] : memref<819200x64xf32, #tpu.memory_space<hbm>> -> memref<128x64xf32, #tpu.memory_space<hbm>>
    %dma_wait3A_291 = arith.constant 0 : i32
    %dma_wait3A_292 = arith.constant 0 : i32
    %dma_wait3A_293 = tpu.memref_slice %arg4[%dma_wait3A_291, %dma_wait3A_292] : memref<819200x64xf32, #tpu.memory_space<hbm>> -> memref<128x64xf32, #tpu.memory_space<hbm>>
    tpu.wait_dma2 semaphore(%arg17 : memref<!tpu.dma_semaphore, #tpu.memory_space<semaphore_mem>>) src(%dma_wait3A_293 : memref<128x64xf32, #tpu.memory_space<hbm>>) dst(%arg9 : memref<128x64xf32, #tpu.memory_space<vmem>>)
    %add3A_294 = arith.constant 24832 : i32
    %add3A_295 = arith.addi %mul3A_2, %add3A_294 : i32
    %dma_start3A_296 = arith.constant 0 : i32
    %dma_start3A_297 = tpu.memref_slice %arg4[%add3A_295, %dma_start3A_296] : memref<819200x64xf32, #tpu.memory_space<hbm>> -> memref<128x64xf32, #tpu.memory_space<hbm>>
    %dma_start3A_298 = arith.constant 0 : i32
    %dma_start3A_299 = tpu.memref_slice %arg4[%add3A_295, %dma_start3A_298] : memref<819200x64xf32, #tpu.memory_space<hbm>> -> memref<128x64xf32, #tpu.memory_space<hbm>>
    tpu.enqueue_dma source(%arg9 : memref<128x64xf32, #tpu.memory_space<vmem>>) target(%dma_start3A_299 : memref<128x64xf32, #tpu.memory_space<hbm>>) target_semaphore(%arg25 : memref<!tpu.dma_semaphore, #tpu.memory_space<semaphore_mem>>)
    %dma_wait3A_300 = arith.constant 0 : i32
    %dma_wait3A_301 = arith.constant 0 : i32
    %dma_wait3A_302 = tpu.memref_slice %arg4[%dma_wait3A_300, %dma_wait3A_301] : memref<819200x64xf32, #tpu.memory_space<hbm>> -> memref<128x64xf32, #tpu.memory_space<hbm>>
    %dma_wait3A_303 = arith.constant 0 : i32
    %dma_wait3A_304 = arith.constant 0 : i32
    %dma_wait3A_305 = tpu.memref_slice %arg4[%dma_wait3A_303, %dma_wait3A_304] : memref<819200x64xf32, #tpu.memory_space<hbm>> -> memref<128x64xf32, #tpu.memory_space<hbm>>
    tpu.wait_dma2 semaphore(%arg29 : memref<!tpu.dma_semaphore, #tpu.memory_space<semaphore_mem>>) src(%arg13 : memref<128x64xf32, #tpu.memory_space<vmem>>) dst(%dma_wait3A_305 : memref<128x64xf32, #tpu.memory_space<hbm>>)
    %dma_start3A_306 = arith.constant 0 : i32
    %dma_start3A_307 = arith.constant 0 : i32
    %dma_start3A_308 = tpu.memref_slice %arg13[%dma_start3A_306, %dma_start3A_307] : memref<128x64xf32, #tpu.memory_space<vmem>> -> memref<128x64xf32, #tpu.memory_space<vmem>>
    %dma_start3A_309 = arith.constant 25344 : i32
    %dma_start3A_310 = tpu.memref_slice %arg6[%dma_start3A_309] : memref<25600xi32, #tpu.memory_space<vmem>> -> memref<128xi32, #tpu.memory_space<vmem>>
    %dma_start3A_311 = arith.constant 0 : i32
    %dma_start3A_312 = arith.constant 0 : i32
    %dma_start3A_313 = tpu.memref_slice %arg3[%dma_start3A_311, %dma_start3A_312] : memref<100000x64xf32, #tpu.memory_space<hbm>> -> memref<100000x64xf32, #tpu.memory_space<hbm>>
    tpu.enqueue_indirect_dma source(%dma_start3A_313 : memref<100000x64xf32, #tpu.memory_space<hbm>>) target(%dma_start3A_308 : memref<128x64xf32, #tpu.memory_space<vmem>>) offsets(%dma_start3A_310 : memref<128xi32, #tpu.memory_space<vmem>>) semaphore(%arg21 : memref<!tpu.dma_semaphore, #tpu.memory_space<semaphore_mem>>)
    %dma_wait3A_314 = arith.constant 0 : i32
    %dma_wait3A_315 = arith.constant 0 : i32
    %dma_wait3A_316 = tpu.memref_slice %arg4[%dma_wait3A_314, %dma_wait3A_315] : memref<819200x64xf32, #tpu.memory_space<hbm>> -> memref<128x64xf32, #tpu.memory_space<hbm>>
    %dma_wait3A_317 = arith.constant 0 : i32
    %dma_wait3A_318 = arith.constant 0 : i32
    %dma_wait3A_319 = tpu.memref_slice %arg4[%dma_wait3A_317, %dma_wait3A_318] : memref<819200x64xf32, #tpu.memory_space<hbm>> -> memref<128x64xf32, #tpu.memory_space<hbm>>
    tpu.wait_dma2 semaphore(%arg18 : memref<!tpu.dma_semaphore, #tpu.memory_space<semaphore_mem>>) src(%dma_wait3A_319 : memref<128x64xf32, #tpu.memory_space<hbm>>) dst(%arg10 : memref<128x64xf32, #tpu.memory_space<vmem>>)
    %add3A_320 = arith.constant 24960 : i32
    %add3A_321 = arith.addi %mul3A_2, %add3A_320 : i32
    %dma_start3A_322 = arith.constant 0 : i32
    %dma_start3A_323 = tpu.memref_slice %arg4[%add3A_321, %dma_start3A_322] : memref<819200x64xf32, #tpu.memory_space<hbm>> -> memref<128x64xf32, #tpu.memory_space<hbm>>
    %dma_start3A_324 = arith.constant 0 : i32
    %dma_start3A_325 = tpu.memref_slice %arg4[%add3A_321, %dma_start3A_324] : memref<819200x64xf32, #tpu.memory_space<hbm>> -> memref<128x64xf32, #tpu.memory_space<hbm>>
    tpu.enqueue_dma source(%arg10 : memref<128x64xf32, #tpu.memory_space<vmem>>) target(%dma_start3A_325 : memref<128x64xf32, #tpu.memory_space<hbm>>) target_semaphore(%arg26 : memref<!tpu.dma_semaphore, #tpu.memory_space<semaphore_mem>>)
    %dma_wait3A_326 = arith.constant 0 : i32
    %dma_wait3A_327 = arith.constant 0 : i32
    %dma_wait3A_328 = tpu.memref_slice %arg4[%dma_wait3A_326, %dma_wait3A_327] : memref<819200x64xf32, #tpu.memory_space<hbm>> -> memref<128x64xf32, #tpu.memory_space<hbm>>
    %dma_wait3A_329 = arith.constant 0 : i32
    %dma_wait3A_330 = arith.constant 0 : i32
    %dma_wait3A_331 = tpu.memref_slice %arg4[%dma_wait3A_329, %dma_wait3A_330] : memref<819200x64xf32, #tpu.memory_space<hbm>> -> memref<128x64xf32, #tpu.memory_space<hbm>>
    tpu.wait_dma2 semaphore(%arg30 : memref<!tpu.dma_semaphore, #tpu.memory_space<semaphore_mem>>) src(%arg14 : memref<128x64xf32, #tpu.memory_space<vmem>>) dst(%dma_wait3A_331 : memref<128x64xf32, #tpu.memory_space<hbm>>)
    %dma_start3A_332 = arith.constant 0 : i32
    %dma_start3A_333 = arith.constant 0 : i32
    %dma_start3A_334 = tpu.memref_slice %arg14[%dma_start3A_332, %dma_start3A_333] : memref<128x64xf32, #tpu.memory_space<vmem>> -> memref<128x64xf32, #tpu.memory_space<vmem>>
    %dma_start3A_335 = arith.constant 25472 : i32
    %dma_start3A_336 = tpu.memref_slice %arg6[%dma_start3A_335] : memref<25600xi32, #tpu.memory_space<vmem>> -> memref<128xi32, #tpu.memory_space<vmem>>
    %dma_start3A_337 = arith.constant 0 : i32
    %dma_start3A_338 = arith.constant 0 : i32
    %dma_start3A_339 = tpu.memref_slice %arg3[%dma_start3A_337, %dma_start3A_338] : memref<100000x64xf32, #tpu.memory_space<hbm>> -> memref<100000x64xf32, #tpu.memory_space<hbm>>
    tpu.enqueue_indirect_dma source(%dma_start3A_339 : memref<100000x64xf32, #tpu.memory_space<hbm>>) target(%dma_start3A_334 : memref<128x64xf32, #tpu.memory_space<vmem>>) offsets(%dma_start3A_336 : memref<128xi32, #tpu.memory_space<vmem>>) semaphore(%arg22 : memref<!tpu.dma_semaphore, #tpu.memory_space<semaphore_mem>>)
    %dma_wait3A_340 = arith.constant 0 : i32
    %dma_wait3A_341 = arith.constant 0 : i32
    %dma_wait3A_342 = tpu.memref_slice %arg4[%dma_wait3A_340, %dma_wait3A_341] : memref<819200x64xf32, #tpu.memory_space<hbm>> -> memref<128x64xf32, #tpu.memory_space<hbm>>
    %dma_wait3A_343 = arith.constant 0 : i32
    %dma_wait3A_344 = arith.constant 0 : i32
    %dma_wait3A_345 = tpu.memref_slice %arg4[%dma_wait3A_343, %dma_wait3A_344] : memref<819200x64xf32, #tpu.memory_space<hbm>> -> memref<128x64xf32, #tpu.memory_space<hbm>>
    tpu.wait_dma2 semaphore(%arg19 : memref<!tpu.dma_semaphore, #tpu.memory_space<semaphore_mem>>) src(%dma_wait3A_345 : memref<128x64xf32, #tpu.memory_space<hbm>>) dst(%arg11 : memref<128x64xf32, #tpu.memory_space<vmem>>)
    %add3A_346 = arith.constant 25088 : i32
    %add3A_347 = arith.addi %mul3A_2, %add3A_346 : i32
    %dma_start3A_348 = arith.constant 0 : i32
    %dma_start3A_349 = tpu.memref_slice %arg4[%add3A_347, %dma_start3A_348] : memref<819200x64xf32, #tpu.memory_space<hbm>> -> memref<128x64xf32, #tpu.memory_space<hbm>>
    %dma_start3A_350 = arith.constant 0 : i32
    %dma_start3A_351 = tpu.memref_slice %arg4[%add3A_347, %dma_start3A_350] : memref<819200x64xf32, #tpu.memory_space<hbm>> -> memref<128x64xf32, #tpu.memory_space<hbm>>
    tpu.enqueue_dma source(%arg11 : memref<128x64xf32, #tpu.memory_space<vmem>>) target(%dma_start3A_351 : memref<128x64xf32, #tpu.memory_space<hbm>>) target_semaphore(%arg27 : memref<!tpu.dma_semaphore, #tpu.memory_space<semaphore_mem>>)
    %dma_wait3A_352 = arith.constant 0 : i32
    %dma_wait3A_353 = arith.constant 0 : i32
    %dma_wait3A_354 = tpu.memref_slice %arg4[%dma_wait3A_352, %dma_wait3A_353] : memref<819200x64xf32, #tpu.memory_space<hbm>> -> memref<128x64xf32, #tpu.memory_space<hbm>>
    %dma_wait3A_355 = arith.constant 0 : i32
    %dma_wait3A_356 = arith.constant 0 : i32
    %dma_wait3A_357 = tpu.memref_slice %arg4[%dma_wait3A_355, %dma_wait3A_356] : memref<819200x64xf32, #tpu.memory_space<hbm>> -> memref<128x64xf32, #tpu.memory_space<hbm>>
    tpu.wait_dma2 semaphore(%arg20 : memref<!tpu.dma_semaphore, #tpu.memory_space<semaphore_mem>>) src(%dma_wait3A_357 : memref<128x64xf32, #tpu.memory_space<hbm>>) dst(%arg12 : memref<128x64xf32, #tpu.memory_space<vmem>>)
    %add3A_358 = arith.constant 25216 : i32
    %add3A_359 = arith.addi %mul3A_2, %add3A_358 : i32
    %dma_start3A_360 = arith.constant 0 : i32
    %dma_start3A_361 = tpu.memref_slice %arg4[%add3A_359, %dma_start3A_360] : memref<819200x64xf32, #tpu.memory_space<hbm>> -> memref<128x64xf32, #tpu.memory_space<hbm>>
    %dma_start3A_362 = arith.constant 0 : i32
    %dma_start3A_363 = tpu.memref_slice %arg4[%add3A_359, %dma_start3A_362] : memref<819200x64xf32, #tpu.memory_space<hbm>> -> memref<128x64xf32, #tpu.memory_space<hbm>>
    tpu.enqueue_dma source(%arg12 : memref<128x64xf32, #tpu.memory_space<vmem>>) target(%dma_start3A_363 : memref<128x64xf32, #tpu.memory_space<hbm>>) target_semaphore(%arg28 : memref<!tpu.dma_semaphore, #tpu.memory_space<semaphore_mem>>)
    %dma_wait3A_364 = arith.constant 0 : i32
    %dma_wait3A_365 = arith.constant 0 : i32
    %dma_wait3A_366 = tpu.memref_slice %arg4[%dma_wait3A_364, %dma_wait3A_365] : memref<819200x64xf32, #tpu.memory_space<hbm>> -> memref<128x64xf32, #tpu.memory_space<hbm>>
    %dma_wait3A_367 = arith.constant 0 : i32
    %dma_wait3A_368 = arith.constant 0 : i32
    %dma_wait3A_369 = tpu.memref_slice %arg4[%dma_wait3A_367, %dma_wait3A_368] : memref<819200x64xf32, #tpu.memory_space<hbm>> -> memref<128x64xf32, #tpu.memory_space<hbm>>
    tpu.wait_dma2 semaphore(%arg21 : memref<!tpu.dma_semaphore, #tpu.memory_space<semaphore_mem>>) src(%dma_wait3A_369 : memref<128x64xf32, #tpu.memory_space<hbm>>) dst(%arg13 : memref<128x64xf32, #tpu.memory_space<vmem>>)
    %add3A_370 = arith.constant 25344 : i32
    %add3A_371 = arith.addi %mul3A_2, %add3A_370 : i32
    %dma_start3A_372 = arith.constant 0 : i32
    %dma_start3A_373 = tpu.memref_slice %arg4[%add3A_371, %dma_start3A_372] : memref<819200x64xf32, #tpu.memory_space<hbm>> -> memref<128x64xf32, #tpu.memory_space<hbm>>
    %dma_start3A_374 = arith.constant 0 : i32
    %dma_start3A_375 = tpu.memref_slice %arg4[%add3A_371, %dma_start3A_374] : memref<819200x64xf32, #tpu.memory_space<hbm>> -> memref<128x64xf32, #tpu.memory_space<hbm>>
    tpu.enqueue_dma source(%arg13 : memref<128x64xf32, #tpu.memory_space<vmem>>) target(%dma_start3A_375 : memref<128x64xf32, #tpu.memory_space<hbm>>) target_semaphore(%arg29 : memref<!tpu.dma_semaphore, #tpu.memory_space<semaphore_mem>>)
    %dma_wait3A_376 = arith.constant 0 : i32
    %dma_wait3A_377 = arith.constant 0 : i32
    %dma_wait3A_378 = tpu.memref_slice %arg4[%dma_wait3A_376, %dma_wait3A_377] : memref<819200x64xf32, #tpu.memory_space<hbm>> -> memref<128x64xf32, #tpu.memory_space<hbm>>
    %dma_wait3A_379 = arith.constant 0 : i32
    %dma_wait3A_380 = arith.constant 0 : i32
    %dma_wait3A_381 = tpu.memref_slice %arg4[%dma_wait3A_379, %dma_wait3A_380] : memref<819200x64xf32, #tpu.memory_space<hbm>> -> memref<128x64xf32, #tpu.memory_space<hbm>>
    tpu.wait_dma2 semaphore(%arg22 : memref<!tpu.dma_semaphore, #tpu.memory_space<semaphore_mem>>) src(%dma_wait3A_381 : memref<128x64xf32, #tpu.memory_space<hbm>>) dst(%arg14 : memref<128x64xf32, #tpu.memory_space<vmem>>)
    %add3A_382 = arith.constant 25472 : i32
    %add3A_383 = arith.addi %mul3A_2, %add3A_382 : i32
    %dma_start3A_384 = arith.constant 0 : i32
    %dma_start3A_385 = tpu.memref_slice %arg4[%add3A_383, %dma_start3A_384] : memref<819200x64xf32, #tpu.memory_space<hbm>> -> memref<128x64xf32, #tpu.memory_space<hbm>>
    %dma_start3A_386 = arith.constant 0 : i32
    %dma_start3A_387 = tpu.memref_slice %arg4[%add3A_383, %dma_start3A_386] : memref<819200x64xf32, #tpu.memory_space<hbm>> -> memref<128x64xf32, #tpu.memory_space<hbm>>
    tpu.enqueue_dma source(%arg14 : memref<128x64xf32, #tpu.memory_space<vmem>>) target(%dma_start3A_387 : memref<128x64xf32, #tpu.memory_space<hbm>>) target_semaphore(%arg30 : memref<!tpu.dma_semaphore, #tpu.memory_space<semaphore_mem>>)
    %dma_wait3A_388 = arith.constant 0 : i32
    %dma_wait3A_389 = arith.constant 0 : i32
    %dma_wait3A_390 = tpu.memref_slice %arg4[%dma_wait3A_388, %dma_wait3A_389] : memref<819200x64xf32, #tpu.memory_space<hbm>> -> memref<128x64xf32, #tpu.memory_space<hbm>>
    %dma_wait3A_391 = arith.constant 0 : i32
    %dma_wait3A_392 = arith.constant 0 : i32
    %dma_wait3A_393 = tpu.memref_slice %arg4[%dma_wait3A_391, %dma_wait3A_392] : memref<819200x64xf32, #tpu.memory_space<hbm>> -> memref<128x64xf32, #tpu.memory_space<hbm>>
    tpu.wait_dma2 semaphore(%arg23 : memref<!tpu.dma_semaphore, #tpu.memory_space<semaphore_mem>>) src(%arg7 : memref<128x64xf32, #tpu.memory_space<vmem>>) dst(%dma_wait3A_393 : memref<128x64xf32, #tpu.memory_space<hbm>>)
    %dma_wait3A_394 = arith.constant 0 : i32
    %dma_wait3A_395 = arith.constant 0 : i32
    %dma_wait3A_396 = tpu.memref_slice %arg4[%dma_wait3A_394, %dma_wait3A_395] : memref<819200x64xf32, #tpu.memory_space<hbm>> -> memref<128x64xf32, #tpu.memory_space<hbm>>
    %dma_wait3A_397 = arith.constant 0 : i32
    %dma_wait3A_398 = arith.constant 0 : i32
    %dma_wait3A_399 = tpu.memref_slice %arg4[%dma_wait3A_397, %dma_wait3A_398] : memref<819200x64xf32, #tpu.memory_space<hbm>> -> memref<128x64xf32, #tpu.memory_space<hbm>>
    tpu.wait_dma2 semaphore(%arg24 : memref<!tpu.dma_semaphore, #tpu.memory_space<semaphore_mem>>) src(%arg8 : memref<128x64xf32, #tpu.memory_space<vmem>>) dst(%dma_wait3A_399 : memref<128x64xf32, #tpu.memory_space<hbm>>)
    %dma_wait3A_400 = arith.constant 0 : i32
    %dma_wait3A_401 = arith.constant 0 : i32
    %dma_wait3A_402 = tpu.memref_slice %arg4[%dma_wait3A_400, %dma_wait3A_401] : memref<819200x64xf32, #tpu.memory_space<hbm>> -> memref<128x64xf32, #tpu.memory_space<hbm>>
    %dma_wait3A_403 = arith.constant 0 : i32
    %dma_wait3A_404 = arith.constant 0 : i32
    %dma_wait3A_405 = tpu.memref_slice %arg4[%dma_wait3A_403, %dma_wait3A_404] : memref<819200x64xf32, #tpu.memory_space<hbm>> -> memref<128x64xf32, #tpu.memory_space<hbm>>
    tpu.wait_dma2 semaphore(%arg25 : memref<!tpu.dma_semaphore, #tpu.memory_space<semaphore_mem>>) src(%arg9 : memref<128x64xf32, #tpu.memory_space<vmem>>) dst(%dma_wait3A_405 : memref<128x64xf32, #tpu.memory_space<hbm>>)
    %dma_wait3A_406 = arith.constant 0 : i32
    %dma_wait3A_407 = arith.constant 0 : i32
    %dma_wait3A_408 = tpu.memref_slice %arg4[%dma_wait3A_406, %dma_wait3A_407] : memref<819200x64xf32, #tpu.memory_space<hbm>> -> memref<128x64xf32, #tpu.memory_space<hbm>>
    %dma_wait3A_409 = arith.constant 0 : i32
    %dma_wait3A_410 = arith.constant 0 : i32
    %dma_wait3A_411 = tpu.memref_slice %arg4[%dma_wait3A_409, %dma_wait3A_410] : memref<819200x64xf32, #tpu.memory_space<hbm>> -> memref<128x64xf32, #tpu.memory_space<hbm>>
    tpu.wait_dma2 semaphore(%arg26 : memref<!tpu.dma_semaphore, #tpu.memory_space<semaphore_mem>>) src(%arg10 : memref<128x64xf32, #tpu.memory_space<vmem>>) dst(%dma_wait3A_411 : memref<128x64xf32, #tpu.memory_space<hbm>>)
    %dma_wait3A_412 = arith.constant 0 : i32
    %dma_wait3A_413 = arith.constant 0 : i32
    %dma_wait3A_414 = tpu.memref_slice %arg4[%dma_wait3A_412, %dma_wait3A_413] : memref<819200x64xf32, #tpu.memory_space<hbm>> -> memref<128x64xf32, #tpu.memory_space<hbm>>
    %dma_wait3A_415 = arith.constant 0 : i32
    %dma_wait3A_416 = arith.constant 0 : i32
    %dma_wait3A_417 = tpu.memref_slice %arg4[%dma_wait3A_415, %dma_wait3A_416] : memref<819200x64xf32, #tpu.memory_space<hbm>> -> memref<128x64xf32, #tpu.memory_space<hbm>>
    tpu.wait_dma2 semaphore(%arg27 : memref<!tpu.dma_semaphore, #tpu.memory_space<semaphore_mem>>) src(%arg11 : memref<128x64xf32, #tpu.memory_space<vmem>>) dst(%dma_wait3A_417 : memref<128x64xf32, #tpu.memory_space<hbm>>)
    %dma_wait3A_418 = arith.constant 0 : i32
    %dma_wait3A_419 = arith.constant 0 : i32
    %dma_wait3A_420 = tpu.memref_slice %arg4[%dma_wait3A_418, %dma_wait3A_419] : memref<819200x64xf32, #tpu.memory_space<hbm>> -> memref<128x64xf32, #tpu.memory_space<hbm>>
    %dma_wait3A_421 = arith.constant 0 : i32
    %dma_wait3A_422 = arith.constant 0 : i32
    %dma_wait3A_423 = tpu.memref_slice %arg4[%dma_wait3A_421, %dma_wait3A_422] : memref<819200x64xf32, #tpu.memory_space<hbm>> -> memref<128x64xf32, #tpu.memory_space<hbm>>
    tpu.wait_dma2 semaphore(%arg28 : memref<!tpu.dma_semaphore, #tpu.memory_space<semaphore_mem>>) src(%arg12 : memref<128x64xf32, #tpu.memory_space<vmem>>) dst(%dma_wait3A_423 : memref<128x64xf32, #tpu.memory_space<hbm>>)
    %dma_wait3A_424 = arith.constant 0 : i32
    %dma_wait3A_425 = arith.constant 0 : i32
    %dma_wait3A_426 = tpu.memref_slice %arg4[%dma_wait3A_424, %dma_wait3A_425] : memref<819200x64xf32, #tpu.memory_space<hbm>> -> memref<128x64xf32, #tpu.memory_space<hbm>>
    %dma_wait3A_427 = arith.constant 0 : i32
    %dma_wait3A_428 = arith.constant 0 : i32
    %dma_wait3A_429 = tpu.memref_slice %arg4[%dma_wait3A_427, %dma_wait3A_428] : memref<819200x64xf32, #tpu.memory_space<hbm>> -> memref<128x64xf32, #tpu.memory_space<hbm>>
    tpu.wait_dma2 semaphore(%arg29 : memref<!tpu.dma_semaphore, #tpu.memory_space<semaphore_mem>>) src(%arg13 : memref<128x64xf32, #tpu.memory_space<vmem>>) dst(%dma_wait3A_429 : memref<128x64xf32, #tpu.memory_space<hbm>>)
    %dma_wait3A_430 = arith.constant 0 : i32
    %dma_wait3A_431 = arith.constant 0 : i32
    %dma_wait3A_432 = tpu.memref_slice %arg4[%dma_wait3A_430, %dma_wait3A_431] : memref<819200x64xf32, #tpu.memory_space<hbm>> -> memref<128x64xf32, #tpu.memory_space<hbm>>
    %dma_wait3A_433 = arith.constant 0 : i32
    %dma_wait3A_434 = arith.constant 0 : i32
    %dma_wait3A_435 = tpu.memref_slice %arg4[%dma_wait3A_433, %dma_wait3A_434] : memref<819200x64xf32, #tpu.memory_space<hbm>> -> memref<128x64xf32, #tpu.memory_space<hbm>>
    tpu.wait_dma2 semaphore(%arg30 : memref<!tpu.dma_semaphore, #tpu.memory_space<semaphore_mem>>) src(%arg14 : memref<128x64xf32, #tpu.memory_space<vmem>>) dst(%dma_wait3A_435 : memref<128x64xf32, #tpu.memory_space<hbm>>)
    return
  }
}

</mosaic_0001>

<sc_bundles>
// kernel: kernel.3.cloned.1.call-start
scs
__scs_entry_jumppad:
0x0: {  	(pc) =	sbr.rel $0x88, $3  }
0x1: {  	(tag) =	ssettag $0x0;
	lr =	simm.s32 $0x1  }
0x2: {  	[smem:$0x3F9F] =	sst lr;
	_ =	strace $0xD0000000  }
0x3: {  	_ = 	snop  }
0x4: {  	_ = 	snop  }
0x5: {  	_ = 	snop  }
0x6: {  	_ = 	snop  }
0x7: {  	_ = 	snop  }
__scs_overlays_trampoline_lowered:
0x8: {  	[smem:$0x3FAE] =	sst s0  }
0x9: {  	[smem:$0x3FAF] =	sst s1  }
0xa: {  	[smem:$0x3FB0] =	sst s2  }
0xb: {  	[smem:$0x3FB1] =	sst s3  }
0xc: {  	[smem:$0x3FB2] =	sst s4  }
0xd: {  	[smem:$0x3FB3] =	sst s5  }
0xe: {  	[smem:$0x3FB4] =	sst s6  }
0xf: {  	[smem:$0x3FB5] =	sst s7  }
0x10: {  	[smem:$0x3FB6] =	sst s8  }
0x11: {  	[smem:$0x3FB7] =	sst s9;
	s0 =	simm.s32 @!p0 $0x0  }
0x12: {  	s1 =	sld [smem:$0x3F9D];
	s0 =	simm.s32 @p0 $0x1  }
0x13: {  	[smem:$0x3FB8] =	sst s0;
	s0 =	simm.s32 @!p1 $0x0  }
0x14: {  	s2 =	sld [smem:$0x3F9C];
	s0 =	simm.s32 @p1 $0x1  }
0x15: {  	[smem:$0x3FB9] =	sst s0;
	s0 =	simm.s32 @!p2 $0x0  }
0x16: {  	s3 =	sld [smem:$0x3FDB];
	s0 =	simm.s32 @p2 $0x1  }
0x17: {  	s4 =	simm.s32 $0x1BF5;
	[smem:$0x3FBB] =	sst s0  }
0x18: {  	s0 =	sld [smem:$0x3F9E];
	_ =	swait.ge [sflag:s4], $0x0  }
0x19: {  	s7 =	sld [smem:$0x3F9F]  }
0x1a: {  	s8 =	sadd.s32 $0xFFFFE003, lr  }
0x1b: {  	s9 =	sadd.s32 $0xFFFFFEF7, lr;
	s5 =	simm.s32 $0xFFFFFFFF;
	p2 =	slt.u32 s8, $0xFFFFF086  }
0x1c: {  	p1 =	slt.u32 s9, $0xF7A;
	s5 =	simm.s32 @!p2 $0x0  }
0x1d: {  	s5 =	simm.s32 @p1 $0x1;
	p0 =	seq.s32 s7, s2  }
0x1e: {  	s7 =	smul.u32 @!p0 $0xF7A, s2;
	p2 =	seq.s32 @!p0 s5, $0x0  }
0x1f: {  	s9 =	smul.u32 $0xF7A, s1;
	s8 =	simm.s32 @!p0 $0x1BF5;
	p2 =	por !p2, p0  }
0x20: {  	[sflag:s8] =	ssyncset.s32 @!p0 $0xFFFFF086;
	s6 =	sadd.s32 @!p0 s3, s7;
	s7 =	simm.s32 @!p0 $0x108  }
0x21: {  	s3 =	sadd.s32 s3, s9;
	s6 =	sadd.s32 @!p0 $0x88, s6;
	s7 =	simm.s32 @p2 $0x1082  }
0x22: {  	[simem:s7], [sflag:s8] =	dma.local @!p0 [hbm:s6], $0xF7A  }
0x23: {  	s9 =	sor.u32 $0xD0000000, s2;
	s6 =	simm.s32 $0x108;
	_ =	swait.ge @!p0 [sflag:s8], $0x0  }
0x24: {  	s3 =	sadd.s32 $0x88, s3;
	s6 =	simm.s32 @!p1 $0x1082;
	[sflag:s4] =	ssyncset.s32 $0xFFFFF086  }
0x25: {  	[simem:s6], [sflag:s4] =	dma.local [hbm:s3], $0xF7A  }
0x26: {  	[smem:$0x3F9F] =	sst s1;
	(tag) =	ssettag s2;
	_ =	strace s9  }
0x27: {  	s1 =	sld [smem:$0x3FAF]  }
0x28: {  	s2 =	sld [smem:$0x3FB0]  }
0x29: {  	s4 =	sld [smem:$0x3FB2]  }
0x2a: {  	p0 =	seq.s32 s5, $0x0;
	s5 =	sld [smem:$0x3FB3]  }
0x2b: {  	s6 =	sld [smem:$0x3FB4]  }
0x2c: {  	s7 =	sld [smem:$0x3FB5]  }
0x2d: {  	s3 =	simm.s32 $0x108;
	s8 =	sld [smem:$0x3FB6]  }
0x2e: {  	s3 =	simm.s32 @!p0 $0x1082;
	s9 =	sld [smem:$0x3FB7]  }
0x2f: {  	lr =	sadd.s32 s0, s3;
	s0 =	sld [smem:$0x3FAE]  }
0x30: {  	s3 =	sld [smem:$0x3FB1]  }
0x31: {  	[smem:$0x3FBA] =	sst s10  }
0x32: {  	s10 =	sld [smem:$0x3FB8];
	_ =	sdelay $0x3  }
0x33: {  	p0 =	seq.s32 s10, $0x1;
	s10 =	sld [smem:$0x3FBA];
	_ =	sdelay $0x3  }
0x34: {  	[smem:$0x3FBA] =	sst s10  }
0x35: {  	s10 =	sld [smem:$0x3FB9];
	_ =	sdelay $0x3  }
0x36: {  	p1 =	seq.s32 s10, $0x1;
	s10 =	sld [smem:$0x3FBA];
	_ =	sdelay $0x3  }
0x37: {  	[smem:$0x3FBA] =	sst s10  }
0x38: {  	s10 =	sld [smem:$0x3FBB]  }
0x39: {  	_ = 	snop;
	(pc) =	sbr.ind lr, $3  }
0x3a: {  	_ = 	snop  }
0x3b: {  	_ = 	snop  }
0x3c: {  	p2 =	seq.s32 s10, $0x1;
	s10 =	sld [smem:$0x3FBA]  }
0x3d: {  	_ =	shalt  }
0x3e: {  	_ =	shalt  }
0x3f: {  	_ =	shalt  }
0x40: {  	_ =	shalt  }
0x41: {  	_ =	shalt  }
0x42: {  	_ =	shalt  }
0x43: {  	_ =	shalt  }
0x44: {  	_ =	shalt  }
0x45: {  	_ =	shalt  }
0x46: {  	_ =	shalt  }
0x47: {  	_ =	shalt  }
0x48: {  	_ =	shalt  }
0x49: {  	_ =	shalt  }
0x4a: {  	_ =	shalt  }
0x4b: {  	_ =	shalt  }
0x4c: {  	_ =	shalt  }
0x4d: {  	_ =	shalt  }
0x4e: {  	_ =	shalt  }
0x4f: {  	_ =	shalt  }
0x50: {  	_ =	shalt  }
0x51: {  	_ =	shalt  }
0x52: {  	_ =	shalt  }
0x53: {  	_ =	shalt  }
0x54: {  	_ =	shalt  }
0x55: {  	_ =	shalt  }
0x56: {  	_ =	shalt  }
0x57: {  	_ =	shalt  }
0x58: {  	_ =	shalt  }
0x59: {  	_ =	shalt  }
0x5a: {  	_ =	shalt  }
0x5b: {  	_ =	shalt  }
0x5c: {  	_ =	shalt  }
0x5d: {  	_ =	shalt  }
0x5e: {  	_ =	shalt  }
0x5f: {  	_ =	shalt  }
0x60: {  	_ =	shalt  }
0x61: {  	_ =	shalt  }
0x62: {  	_ =	shalt  }
0x63: {  	_ =	shalt  }
0x64: {  	_ =	shalt  }
0x65: {  	_ =	shalt  }
0x66: {  	_ =	shalt  }
0x67: {  	_ =	shalt  }
0x68: {  	_ =	shalt  }
0x69: {  	_ =	shalt  }
0x6a: {  	_ =	shalt  }
0x6b: {  	_ =	shalt  }
0x6c: {  	_ =	shalt  }
0x6d: {  	_ =	shalt  }
0x6e: {  	_ =	shalt  }
0x6f: {  	_ =	shalt  }
0x70: {  	_ =	shalt  }
0x71: {  	_ =	shalt  }
0x72: {  	_ =	shalt  }
0x73: {  	_ =	shalt  }
0x74: {  	_ =	shalt  }
0x75: {  	_ =	shalt  }
0x76: {  	_ =	shalt  }
0x77: {  	_ =	shalt  }
0x78: {  	_ =	shalt  }
0x79: {  	_ =	shalt  }
0x7a: {  	_ =	shalt  }
0x7b: {  	_ =	shalt  }
0x7c: {  	_ =	shalt  }
0x7d: {  	_ =	shalt  }
0x7e: {  	_ =	shalt  }
0x7f: {  	_ =	shalt  }
0x80: {  	_ =	shalt  }
0x81: {  	_ =	shalt  }
0x82: {  	_ =	shalt  }
0x83: {  	_ =	shalt  }
0x84: {  	_ =	shalt  }
0x85: {  	_ =	shalt  }
0x86: {  	_ =	shalt  }
0x87: {  	_ =	shalt  }
.Lfunc_end0:
.L_simem_size_0:
called_computation.1_lowered:
.L_overlay_start_0:
0x88: {  	s2 =	sld [smem:$0x3FD9]  }
0x89: {  	s3 =	sld [smem:$0x3FFE];
	_ =	sdelay $0x1  }
0x8a: {  	s1 =	srdreg.scid  }
0x8b: {  	s0 =	sand.u32 $0x1, s1  }
0x8c: {  	s17 =	sshll.u32 s0, $0xA;
	s2 =	sadd.s32 s3, s2  }
0x8d: {  	s2 =	sadd.s32 s2, s17  }
0x8e: {  	[smem:$0x3FC6] =	sst s2  }
0x8f: {  	_ = 	snop  }
0x90: {  	s2 =	sld [smem:$0x3FD0];
	(tm) =	ssettm $0x1  }
0x91: {  	s18 =	sld [smem:$0x3FFB];
	_ =	sdelay $0x3  }
0x92: {  	_ =	strace s18  }
0x93: {  	s3 =	sld [smem:$0x3FFC];
	_ =	sdelay $0x3  }
0x94: {  	_ =	strace s3  }
0x95: {  	s3 =	sld [smem:$0x3FFD];
	_ =	sdelay $0x3  }
0x96: {  	_ =	strace s3  }
0x97: {  	_ =	strace $0x8FFFFFFF  }
0x98: {  	s19 =	sld [smem:$0x3FDB];
	_ =	sdelay $0x1  }
0x99: {  	s4 =	simm.s32 $_scs_section_size  }
0x9a: {  	s5 =	simm.s32 $_size__tile_overlayer_lowered;
	s6 =	simm.s32 $_tile_overlayer_lowered  }
0x9b: {  	s22 =	simm.s32 $0x1BFF;
	s21 =	sshll.u32 s6, $0x1;
	s3 =	sadd.s32 s4, s19  }
0x9c: {  	s7 =	simm.s32 $0x0;
	s20 =	sshll.u32 s5, $0x1;
	s5 =	sadd.s32 s21, s3  }
0x9d: {  	[timem:s7], [sflag:s22] =	dma.local [hbm:s5], s20  }
0x9e: {  	_ =	swait.ge [sflag:s22], s20  }
0x9f: {  	s4 =	ssub.s32 $0x0, s20;
	[sflag:s22] =	ssyncset.done $0x0  }
0xa0: {  	[sflag:s22] =	ssyncadd.s32 s4;
	_ =	sdelay $0x1  }
0xa1: {  	s23 =	simm.s32 $0x1B8B  }
0xa2: {  	_ =	swait.ge [sflag:s23], $0x1  }
0xa3: {  	[sflag:s23] =	ssyncset.done $0x0  }
0xa4: {  	s25 =	simm.s32 $0x1B8E;
	s24 =	sld [smem:$0x3FFE];
	[sflag:s23] =	ssyncadd.s32 $0xFFFFFFFF  }
0xa5: {  	s26 =	simm.s32 $execute0_lowered;
	[smem:$0x3FD2] =	sst s25  }
0xa6: {  	s5 =	sshll.u32 s26, $0x1;
	_ =	strace $0x80000046;
	[dreg:$0x1] =	wrdreg $0xFFFFFFFF  }
0xa7: {  	s28 =	simm.s32 $_size_execute0_lowered;
	s3 =	sadd.s32 s3, s5;
	[dreg:$0x0] =	wrdreg $0x0  }
0xa8: {  	s5 =	sshll.u32 s28, $0x1;
	[dreg:$0x2] =	wrdreg s3  }
0xa9: {  	[dreg:$0x3] =	wrdreg s5  }
0xaa: {  	[dreg:$0x4] =	wrdreg $0xC0  }
0xab: {  	_ =	task [dreg:s7], $0x5FFFF  }
0xac: {  	[dreg:$0x1] =	wrdreg $0xFFFFFFFF  }
0xad: {  	[dreg:$0x0] =	wrdreg $0x60  }
0xae: {  	[dreg:$0x2] =	wrdreg s24  }
0xaf: {  	[dreg:$0x3] =	wrdreg s2  }
0xb0: {  	[dreg:$0x4] =	wrdreg $0x9  }
0xb1: {  	_ =	task.clear_ibuf [dreg:s7], $0x5FFFF;
	_ =	strace $0x90000046  }
0xb2: {  	s29 =	simm.s32 $0x9;
	_ =	strace $0x80000048  }
0xb3: {  	_ =	swait.ge [sflag:s29], $0x1  }
0xb4: {  	[sflag:s29] =	ssyncadd.s32 $0xFFFFFFFF  }
0xb5: {  	_ =	strace $0x90000048  }
0xb6: {  	_ =	sfence  }
0xb7: {  	s30 =	sld [smem:$0x0];
	_ =	sdelay $0x2  }
0xb8: {  	s31 =	sshll.u32 s1, $0xD;
	s1 =	sshrl.u32 s1, $0x2  }
0xb9: {  	s3 =	sand.u32 $0x4000, s31;
	s1 =	sadd.s32 s1, s30  }
0xba: {  	s0 =	sor.u32 s3, s0;
	s1 =	sshll.u32 s1, $0x11  }
0xbb: {  	s0 =	sor.u32 s1, s0  }
0xbc: {  	s0 =	sadd.s32 $0x8F2B, s0  }
0xbd: {  	[sflag:s0] =	ssyncadd.remote.s32 $0x1  }
0xbe: {  	_ =	sfence.sel $0xFFFF  }
0xbf: {  	[dreg:$0x0] =	wrdreg $0xFFFFFFFF;
	(pc) =	sbr.abs _section_cstart, $3  }
0xc0: {  	[dreg:$0x1] =	wrdreg $0xFFFFFFFF  }
0xc1: {  	_ =	task.clear_ibuf [dreg:s7], $0x2FFFF;
	_ =	strace $0x9FFFFFFF  }
0xc2: {  	(tm) =	ssettm $0x7FFFFFFF  }
0xc3: {  	_ =	shalt  }
tec
execute0_lowered:
.L_overlay_start_1:
0x0: {  	(tag) =	ssettag $0x1  }
0x1: {  	s0 =	rddreg [dreg:$0x0]  }
0x2: {  	s24 =	rddreg [dreg:$0x1]  }
0x3: {  	s1 =	srdreg.scid;
	s10 =	stileid.u32  }
0x4: {  	s3 =	simm.s32 $0x0;
	s1 =	sand.u32 $0x1, s1;
	s2 =	sshll.u32 s10, $0x1  }
0x5: {  	[smem:$0x7FF] =	sst s3;
	s2 =	sor.u32 s1, s2  }
0x6: {  	s6 =	sadd.s32 $0x800, s0;
	s20 =	ssub.s32 $0x2, s1;
	s9 =	smul.u32 $0x32000, s2  }
0x7: {  	s4 =	sadd.s32 $0x19800, s0;
	s5 =	smul.u32 $0x6400, s2;
	s7 =	sshrl.u32 s20, $0x1  }
0x8: {  	_ =	strace $0x80000047;
	s0 =	ssub.s32 s20, s7;
	s23 =	sadd.s32 s24, s9  }
0x9: {  	s8 =	sshrl.u32 s5, $0x3;
	s0 =	smax.u32 s0, $0x1;
	[dreg:$0xb] =	wrdreg s23  }
0xa: {  	s21 =	sadd.s32 s6, s8;
	[dreg:$0x1c] =	wrdreg s0  }
0xb: {  	s28 =	simm.s32 $0x80;
	s25 =	sadd.s32 $0x400, s23;
	[dreg:$0xa] =	wrdreg s21  }
0xc: {  	s26 =	smul.u32 $0xC800, s10;
	s29 =	sadd.s32 $0x800, s23;
	[dreg:$0xd] =	wrdreg s25  }
0xd: {  	s2 =	smul.u32 $0x190000, s2;
	s9 =	sadd.s32 $0xC00, s23;
	[dreg:$0xe] =	wrdreg s29  }
0xe: {  	s5 =	sor.u32 $0x200, s5;
	s31 =	sadd.s32 $0x1400, s23;
	[dreg:$0xf] =	wrdreg s9  }
0xf: {  	s22 =	sshrl.u32 s5, $0x3;
	s12 =	sadd.s32 $0x1C00, s23;
	[dreg:$0x11] =	wrdreg s31  }
0x10: {  	s5 =	sshll.u32 s5, $0x3;
	s6 =	sadd.s32 s6, s22;
	[dreg:$0x13] =	wrdreg s12  }
0x11: {  	s2 =	sshrl.u32 s2, $0x3;
	s5 =	sadd.s32 s24, s5;
	[dreg:$0xc] =	wrdreg s6  }
0x12: {  	s2 =	sadd.s32 s24, s2;
	s9 =	sadd.s32 $0x1800, s23;
	[dreg:$0x10] =	wrdreg s5  }
0x13: {  	s30 =	smul.u32 $0x6400, s1;
	s13 =	sadd.s32 $0x30000, s2;
	[dreg:$0x12] =	wrdreg s9  }
0x14: {  	s1 =	smul.u32 $0x190000, s1;
	s14 =	sadd.s32 $0x30400, s2;
	[dreg:$0x14] =	wrdreg s13  }
0x15: {  	s11 =	sadd.s32 s30, s26;
	s16 =	sadd.s32 $0x30800, s2;
	[dreg:$0x15] =	wrdreg s14  }
0x16: {  	s20 =	smul.u32 $0x320000, s10;
	s18 =	sadd.s32 $0x30C00, s2;
	[dreg:$0x16] =	wrdreg s16  }
0x17: {  	s10 =	simm.s32 $0x4;
	s23 =	sadd.s32 $0x31000, s2;
	[dreg:$0x17] =	wrdreg s18  }
0x18: {  	s1 =	sadd.s32 s1, s20;
	s26 =	sadd.s32 $0x31400, s2;
	[dreg:$0x18] =	wrdreg s23  }
0x19: {  	s20 =	simm.s32 $0x9;
	s29 =	sadd.s32 $0x31800, s2;
	[dreg:$0x19] =	wrdreg s26  }
0x1a: {  	s0 =	simm.s32 $0x0;
	s2 =	sadd.s32 $0x31C00, s2;
	[dreg:$0x1a] =	wrdreg s29  }
0x1b: {  	s31 =	sadd.s32 $0x10000, s1;
	s5 =	sshll.u32 s11, $0x3;
	[dreg:$0x1b] =	wrdreg s2  }
0x1c: {  	s12 =	simm.s32 $0x5;
	[dreg:$0x1d] =	wrdreg s31;
	s15 =	sadd.s32 $0x2C00, s5  }
0x1d: {  	s14 =	simm.s32 $0x6;
	s17 =	sadd.s32 $0x2800, s5;
	[dreg:$0x3] =	wrdreg s15  }
0x1e: {  	s16 =	simm.s32 $0x7;
	s19 =	sadd.s32 $0x2400, s5;
	[dreg:$0x4] =	wrdreg s17  }
0x1f: {  	s18 =	simm.s32 $0x8;
	s21 =	sadd.s32 $0x3C00, s5;
	[dreg:$0x5] =	wrdreg s19  }
0x20: {  	s26 =	simm.s32 $0xD;
	s22 =	sadd.s32 $0x3800, s5;
	[dreg:$0x6] =	wrdreg s21  }
0x21: {  	s23 =	simm.s32 $0x10;
	s25 =	sadd.s32 $0x3400, s5;
	[dreg:$0x7] =	wrdreg s22  }
0x22: {  	s6 =	simm.s32 $0x11;
	s30 =	sadd.s32 $0x3000, s5;
	[dreg:$0x8] =	wrdreg s25  }
0x23: {  	[dreg:$0x9] =	wrdreg s30;
	s15 =	simm.s32 $0xA;
	s17 =	simm.s32 $0xB  }
0x24: {  	s19 =	simm.s32 $0xC;
	s21 =	simm.s32 $0xE;
	s22 =	simm.s32 $0xF  }
.LBB2_1:
0x25: {  	[dreg:$0x1e] =	wrdreg s0  }
0x26: {  	s1 =	rddreg [dreg:$0xa];
	s11 =	simm.s32 $0x12  }
0x27: {  	[tilespmem:s3], [sflag:$0x12] =	stream.linear.gather [hbm4b:s1+s3], $0x200, $0x38;
	[tilespmem:$0x16400] =	vst v63  }
0x28: {  	_ =	swait.ge [sflag:s11], $0x200  }
0x29: {  	[sflag:s11] =	ssyncset.done $0x0  }
0x2a: {  	s2 =	simm.s32 $0x200;
	s13 =	rddreg [dreg:$0xc];
	[sflag:s11] =	ssyncadd.s32 $0xFFFFFE00  }
0x2b: {  	[tilespmem:s2], [sflag:$0x1] =	stream.linear.gather [hbm4b:s13+s3], $0x6200, $0x38;
	[tilespmem:$0x16400] =	vst v63  }
0x2c: {  	s29 =	simm.s32 $0x6400  }
0x2d: {  	[tilespmem:s29], [sflag:$0x2] =	stream.indirect.gather [hbm4b:s4+s28], $0x40, s3, s28, $0xb8;
	[tilespmem:$0x16400] =	vst v63  }
0x2e: {  	s0 =	simm.s32 $0x8400  }
0x2f: {  	[tilespmem:s0], [sflag:$0x3] =	stream.indirect.gather [hbm4b:s4+s28], $0x40, s28, s28, $0xb8;
	[tilespmem:$0x16400] =	vst v63  }
0x30: {  	s25 =	simm.s32 $0x100;
	s7 =	simm.s32 $0xA400  }
0x31: {  	[tilespmem:s7], [sflag:$0x4] =	stream.indirect.gather [hbm4b:s4+s28], $0x40, s25, s28, $0xb8;
	[tilespmem:$0x16400] =	vst v63  }
0x32: {  	s31 =	simm.s32 $0x180;
	s9 =	simm.s32 $0xC400;
	s5 =	simm.s32 $0x1  }
0x33: {  	[tilespmem:s9], [sflag:$0x5] =	stream.indirect.gather [hbm4b:s4+s28], $0x40, s31, s28, $0xb8;
	[tilespmem:$0x16400] =	vst v63  }
0x34: {  	_ =	swait.ge [sflag:s5], $0x6200  }
0x35: {  	[sflag:s5] =	ssyncset.done $0x0  }
0x36: {  	[sflag:s5] =	ssyncadd.s32 $0xFFFF9E00;
	s5 =	simm.s32 $0x2  }
0x37: {  	_ =	swait.ge [sflag:s5], $0x2000  }
0x38: {  	[sflag:s5] =	ssyncset.done $0x0  }
0x39: {  	s8 =	rddreg [dreg:$0xb];
	[sflag:s5] =	ssyncadd.s32 $0xFFFFE000  }
0x3a: {  	[hbm4b:s8+s3] =	stream.linear.scatter [tilespmem:s29], [sflag:$0xA], $0x2000, $0x38;
	[tilespmem:$0x16400] =	vst v63  }
0x3b: {  	s30 =	simm.s32 $0xE400;
	s8 =	simm.s32 $0x3  }
0x3c: {  	[tilespmem:s30], [sflag:$0x6] =	stream.indirect.gather [hbm4b:s4+s28], $0x40, s2, s28, $0xb8;
	[tilespmem:$0x16400] =	vst v63  }
0x3d: {  	_ =	swait.ge [sflag:s8], $0x2000  }
0x3e: {  	[sflag:s8] =	ssyncset.done $0x0  }
0x3f: {  	s11 =	rddreg [dreg:$0xd];
	[sflag:s8] =	ssyncadd.s32 $0xFFFFE000  }
0x40: {  	[hbm4b:s11+s3] =	stream.linear.scatter [tilespmem:s0], [sflag:$0xB], $0x2000, $0x38;
	[tilespmem:$0x16400] =	vst v63  }
0x41: {  	s13 =	simm.s32 $0x280;
	s2 =	simm.s32 $0x10400  }
0x42: {  	[tilespmem:s2], [sflag:$0x7] =	stream.indirect.gather [hbm4b:s4+s28], $0x40, s13, s28, $0xb8;
	[tilespmem:$0x16400] =	vst v63  }
0x43: {  	_ =	swait.ge [sflag:s10], $0x2000  }
0x44: {  	[sflag:s10] =	ssyncset.done $0x0  }
0x45: {  	s25 =	rddreg [dreg:$0xe];
	[sflag:s10] =	ssyncadd.s32 $0xFFFFE000  }
0x46: {  	[hbm4b:s25+s3] =	stream.linear.scatter [tilespmem:s7], [sflag:$0xC], $0x2000, $0x38;
	[tilespmem:$0x16400] =	vst v63  }
0x47: {  	s31 =	simm.s32 $0x300;
	s11 =	simm.s32 $0x12400  }
0x48: {  	[tilespmem:s11], [sflag:$0x8] =	stream.indirect.gather [hbm4b:s4+s28], $0x40, s31, s28, $0xb8;
	[tilespmem:$0x16400] =	vst v63  }
0x49: {  	_ =	swait.ge [sflag:s12], $0x2000  }
0x4a: {  	[sflag:s12] =	ssyncset.done $0x0  }
0x4b: {  	s13 =	rddreg [dreg:$0xf];
	[sflag:s12] =	ssyncadd.s32 $0xFFFFE000  }
0x4c: {  	[hbm4b:s13+s3] =	stream.linear.scatter [tilespmem:s9], [sflag:$0xD], $0x2000, $0x38;
	[tilespmem:$0x16400] =	vst v63  }
0x4d: {  	s25 =	simm.s32 $0x380;
	s13 =	simm.s32 $0x14400  }
0x4e: {  	[tilespmem:s13], [sflag:$0x9] =	stream.indirect.gather [hbm4b:s4+s28], $0x40, s25, s28, $0xb8;
	[tilespmem:$0x16400] =	vst v63  }
0x4f: {  	_ =	swait.ge [sflag:s14], $0x2000  }
0x50: {  	[sflag:s14] =	ssyncset.done $0x0  }
0x51: {  	s31 =	rddreg [dreg:$0x10];
	[sflag:s14] =	ssyncadd.s32 $0xFFFFE000  }
0x52: {  	[hbm4b:s31+s3] =	stream.linear.scatter [tilespmem:s30], [sflag:$0xE], $0x2000, $0x38;
	[tilespmem:$0x16400] =	vst v63  }
0x53: {  	_ =	swait.ge [sflag:s15], $0x2000  }
0x54: {  	[sflag:s15] =	ssyncset.done $0x0  }
0x55: {  	s25 =	simm.s32 $0x400;
	[sflag:s15] =	ssyncadd.s32 $0xFFFFE000  }
0x56: {  	[tilespmem:s29], [sflag:$0x2] =	stream.indirect.gather [hbm4b:s4+s28], $0x40, s25, s28, $0xb8;
	[tilespmem:$0x16400] =	vst v63  }
0x57: {  	_ =	swait.ge [sflag:s16], $0x2000  }
0x58: {  	[sflag:s16] =	ssyncset.done $0x0  }
0x59: {  	s31 =	rddreg [dreg:$0x11];
	[sflag:s16] =	ssyncadd.s32 $0xFFFFE000  }
0x5a: {  	[hbm4b:s31+s3] =	stream.linear.scatter [tilespmem:s2], [sflag:$0xF], $0x2000, $0x38;
	[tilespmem:$0x16400] =	vst v63  }
0x5b: {  	_ =	swait.ge [sflag:s17], $0x2000  }
0x5c: {  	[sflag:s17] =	ssyncset.done $0x0  }
0x5d: {  	s25 =	simm.s32 $0x480;
	[sflag:s17] =	ssyncadd.s32 $0xFFFFE000  }
0x5e: {  	[tilespmem:s0], [sflag:$0x3] =	stream.indirect.gather [hbm4b:s4+s28], $0x40, s25, s28, $0xb8;
	[tilespmem:$0x16400] =	vst v63  }
0x5f: {  	_ =	swait.ge [sflag:s18], $0x2000  }
0x60: {  	[sflag:s18] =	ssyncset.done $0x0  }
0x61: {  	s31 =	rddreg [dreg:$0x12];
	[sflag:s18] =	ssyncadd.s32 $0xFFFFE000  }
0x62: {  	[hbm4b:s31+s3] =	stream.linear.scatter [tilespmem:s11], [sflag:$0x10], $0x2000, $0x38;
	[tilespmem:$0x16400] =	vst v63  }
0x63: {  	_ =	swait.ge [sflag:s19], $0x2000  }
0x64: {  	[sflag:s19] =	ssyncset.done $0x0  }
0x65: {  	s25 =	simm.s32 $0x500;
	[sflag:s19] =	ssyncadd.s32 $0xFFFFE000  }
0x66: {  	[tilespmem:s7], [sflag:$0x4] =	stream.indirect.gather [hbm4b:s4+s28], $0x40, s25, s28, $0xb8;
	[tilespmem:$0x16400] =	vst v63  }
0x67: {  	_ =	swait.ge [sflag:s20], $0x2000  }
0x68: {  	[sflag:s20] =	ssyncset.done $0x0  }
0x69: {  	s31 =	rddreg [dreg:$0x13];
	[sflag:s20] =	ssyncadd.s32 $0xFFFFE000  }
0x6a: {  	[hbm4b:s31+s3] =	stream.linear.scatter [tilespmem:s13], [sflag:$0x11], $0x2000, $0x38;
	[tilespmem:$0x16400] =	vst v63  }
0x6b: {  	_ =	swait.ge [sflag:s26], $0x2000  }
0x6c: {  	[sflag:s26] =	ssyncset.done $0x0  }
0x6d: {  	s25 =	simm.s32 $0x580;
	[sflag:s26] =	ssyncadd.s32 $0xFFFFE000  }
0x6e: {  	[tilespmem:s9], [sflag:$0x5] =	stream.indirect.gather [hbm4b:s4+s28], $0x40, s25, s28, $0xb8;
	[tilespmem:$0x16400] =	vst v63  }
0x6f: {  	_ =	swait.ge [sflag:s5], $0x2000  }
0x70: {  	s25 =	rddreg [dreg:$0x1d]  }
0x71: {  	[sflag:s5] =	ssyncset.done $0x0;
	s31 =	sshrl.u32 s25, $0x3  }
0x72: {  	[sflag:s5] =	ssyncadd.s32 $0xFFFFE000;
	s1 =	sadd.s32 s24, s31  }
0x73: {  	[hbm4b:s1+s3] =	stream.linear.scatter [tilespmem:s29], [sflag:$0xA], $0x2000, $0x38;
	[tilespmem:$0x16400] =	vst v63  }
0x74: {  	_ =	swait.ge [sflag:s21], $0x2000  }
0x75: {  	[sflag:s21] =	ssyncset.done $0x0  }
0x76: {  	s5 =	simm.s32 $0x600;
	[sflag:s21] =	ssyncadd.s32 $0xFFFFE000  }
0x77: {  	[tilespmem:s30], [sflag:$0x6] =	stream.indirect.gather [hbm4b:s4+s28], $0x40, s5, s28, $0xb8;
	[tilespmem:$0x16400] =	vst v63  }
0x78: {  	_ =	swait.ge [sflag:s8], $0x2000  }
0x79: {  	s31 =	rddreg [dreg:$0x5];
	[sflag:s8] =	ssyncset.done $0x0  }
0x7a: {  	[sflag:s8] =	ssyncadd.s32 $0xFFFFE000;
	s1 =	sadd.s32 s24, s31  }
0x7b: {  	[hbm4b:s1+s3] =	stream.linear.scatter [tilespmem:s0], [sflag:$0xB], $0x2000, $0x38;
	[tilespmem:$0x16400] =	vst v63  }
0x7c: {  	_ =	swait.ge [sflag:s22], $0x2000  }
0x7d: {  	[sflag:s22] =	ssyncset.done $0x0  }
0x7e: {  	s5 =	simm.s32 $0x680;
	[sflag:s22] =	ssyncadd.s32 $0xFFFFE000  }
0x7f: {  	[tilespmem:s2], [sflag:$0x7] =	stream.indirect.gather [hbm4b:s4+s28], $0x40, s5, s28, $0xb8;
	[tilespmem:$0x16400] =	vst v63  }
0x80: {  	_ =	swait.ge [sflag:s10], $0x2000  }
0x81: {  	s8 =	rddreg [dreg:$0x4];
	[sflag:s10] =	ssyncset.done $0x0  }
0x82: {  	[sflag:s10] =	ssyncadd.s32 $0xFFFFE000;
	s1 =	sadd.s32 s24, s8  }
0x83: {  	[hbm4b:s1+s3] =	stream.linear.scatter [tilespmem:s7], [sflag:$0xC], $0x2000, $0x38;
	[tilespmem:$0x16400] =	vst v63  }
0x84: {  	_ =	swait.ge [sflag:s23], $0x2000  }
0x85: {  	[sflag:s23] =	ssyncset.done $0x0  }
0x86: {  	s31 =	simm.s32 $0x700;
	[sflag:s23] =	ssyncadd.s32 $0xFFFFE000  }
0x87: {  	[tilespmem:s11], [sflag:$0x8] =	stream.indirect.gather [hbm4b:s4+s28], $0x40, s31, s28, $0xb8;
	[tilespmem:$0x16400] =	vst v63  }
0x88: {  	_ =	swait.ge [sflag:s12], $0x2000  }
0x89: {  	s5 =	rddreg [dreg:$0x3];
	[sflag:s12] =	ssyncset.done $0x0  }
0x8a: {  	[sflag:s12] =	ssyncadd.s32 $0xFFFFE000;
	s1 =	sadd.s32 s24, s5  }
0x8b: {  	[hbm4b:s1+s3] =	stream.linear.scatter [tilespmem:s9], [sflag:$0xD], $0x2000, $0x38;
	[tilespmem:$0x16400] =	vst v63  }
0x8c: {  	_ =	swait.ge [sflag:s6], $0x2000  }
0x8d: {  	[sflag:s6] =	ssyncset.done $0x0  }
0x8e: {  	s8 =	simm.s32 $0x780;
	[sflag:s6] =	ssyncadd.s32 $0xFFFFE000  }
0x8f: {  	[tilespmem:s13], [sflag:$0x9] =	stream.indirect.gather [hbm4b:s4+s28], $0x40, s8, s28, $0xb8;
	[tilespmem:$0x16400] =	vst v63  }
0x90: {  	_ =	swait.ge [sflag:s14], $0x2000  }
0x91: {  	s9 =	rddreg [dreg:$0x9];
	[sflag:s14] =	ssyncset.done $0x0  }
0x92: {  	[sflag:s14] =	ssyncadd.s32 $0xFFFFE000;
	s1 =	sadd.s32 s24, s9  }
0x93: {  	[hbm4b:s1+s3] =	stream.linear.scatter [tilespmem:s30], [sflag:$0xE], $0x2000, $0x38;
	[tilespmem:$0x16400] =	vst v63  }
0x94: {  	_ =	swait.ge [sflag:s15], $0x2000  }
0x95: {  	[sflag:s15] =	ssyncset.done $0x0  }
0x96: {  	s31 =	simm.s32 $0x800;
	[sflag:s15] =	ssyncadd.s32 $0xFFFFE000  }
0x97: {  	[tilespmem:s29], [sflag:$0x2] =	stream.indirect.gather [hbm4b:s4+s28], $0x40, s31, s28, $0xb8;
	[tilespmem:$0x16400] =	vst v63  }
0x98: {  	_ =	swait.ge [sflag:s16], $0x2000  }
0x99: {  	s5 =	rddreg [dreg:$0x8];
	[sflag:s16] =	ssyncset.done $0x0  }
0x9a: {  	[sflag:s16] =	ssyncadd.s32 $0xFFFFE000;
	s1 =	sadd.s32 s24, s5  }
0x9b: {  	[hbm4b:s1+s3] =	stream.linear.scatter [tilespmem:s2], [sflag:$0xF], $0x2000, $0x38;
	[tilespmem:$0x16400] =	vst v63  }
0x9c: {  	_ =	swait.ge [sflag:s17], $0x2000  }
0x9d: {  	[sflag:s17] =	ssyncset.done $0x0  }
0x9e: {  	s8 =	simm.s32 $0x880;
	[sflag:s17] =	ssyncadd.s32 $0xFFFFE000  }
0x9f: {  	[tilespmem:s0], [sflag:$0x3] =	stream.indirect.gather [hbm4b:s4+s28], $0x40, s8, s28, $0xb8;
	[tilespmem:$0x16400] =	vst v63  }
0xa0: {  	_ =	swait.ge [sflag:s18], $0x2000  }
0xa1: {  	s9 =	rddreg [dreg:$0x7];
	[sflag:s18] =	ssyncset.done $0x0  }
0xa2: {  	[sflag:s18] =	ssyncadd.s32 $0xFFFFE000;
	s1 =	sadd.s32 s24, s9  }
0xa3: {  	[hbm4b:s1+s3] =	stream.linear.scatter [tilespmem:s11], [sflag:$0x10], $0x2000, $0x38;
	[tilespmem:$0x16400] =	vst v63  }
0xa4: {  	_ =	swait.ge [sflag:s19], $0x2000  }
0xa5: {  	[sflag:s19] =	ssyncset.done $0x0  }
0xa6: {  	s29 =	simm.s32 $0x900;
	[sflag:s19] =	ssyncadd.s32 $0xFFFFE000  }
0xa7: {  	[tilespmem:s7], [sflag:$0x4] =	stream.indirect.gather [hbm4b:s4+s28], $0x40, s29, s28, $0xb8;
	[tilespmem:$0x16400] =	vst v63  }
0xa8: {  	_ =	swait.ge [sflag:s20], $0x2000  }
0xa9: {  	s31 =	rddreg [dreg:$0x6];
	[sflag:s20] =	ssyncset.done $0x0  }
0xaa: {  	[sflag:s20] =	ssyncadd.s32 $0xFFFFE000;
	s1 =	sadd.s32 s24, s31  }
0xab: {  	[hbm4b:s1+s3] =	stream.linear.scatter [tilespmem:s13], [sflag:$0x11], $0x2000, $0x38;
	[tilespmem:$0x16400] =	vst v63  }
0xac: {  	s25 =	sadd.s32 $0x10000, s25;
	_ =	swait.ge [sflag:s26], $0x2000  }
0xad: {  	s30 =	smov.u32 s24;
	s2 =	simm.s32 $0x980;
	[sflag:s26] =	ssyncset.done $0x0  }
0xae: {  	s24 =	sadd.s32 $0x2000, s24;
	s1 =	simm.s32 $0x1000;
	[sflag:s26] =	ssyncadd.s32 $0xFFFFE000  }
.LBB2_2:
0xaf: {  	s31 =	simm.s32 $0xC400;
	s0 =	simm.s32 $0x2  }
0xb0: {  	[tilespmem:s31], [sflag:$0x5] =	stream.indirect.gather [hbm4b:s4+s28], $0x40, s2, s28, $0xb8;
	[tilespmem:$0x16400] =	vst v63  }
0xb1: {  	_ =	swait.ge [sflag:s0], $0x2000  }
0xb2: {  	s29 =	sshrl.u32 s25, $0x3;
	[sflag:s0] =	ssyncset.done $0x0  }
0xb3: {  	s29 =	sadd.s32 s30, s29;
	[sflag:s0] =	ssyncadd.s32 $0xFFFFE000;
	s0 =	simm.s32 $0x6400  }
0xb4: {  	[hbm4b:s29+s3] =	stream.linear.scatter [tilespmem:s0], [sflag:$0xA], $0x2000, $0x38;
	[tilespmem:$0x16400] =	vst v63  }
0xb5: {  	s5 =	smov.u32 s1;
	_ =	swait.ge [sflag:s21], $0x2000  }
0xb6: {  	s11 =	simm.s32 $0xE400;
	s2 =	sshra.s32 s5, $0x2;
	[sflag:s21] =	ssyncset.done $0x0  }
0xb7: {  	s5 =	simm.s32 $0x3;
	s7 =	sadd.s32 $0x600, s2;
	[sflag:s21] =	ssyncadd.s32 $0xFFFFE000  }
0xb8: {  	[tilespmem:s11], [sflag:$0x6] =	stream.indirect.gather [hbm4b:s4+s28], $0x40, s7, s28, $0xb8;
	[tilespmem:$0x16400] =	vst v63  }
0xb9: {  	_ =	swait.ge [sflag:s5], $0x2000  }
0xba: {  	s8 =	rddreg [dreg:$0x5];
	[sflag:s5] =	ssyncset.done $0x0  }
0xbb: {  	s7 =	simm.s32 $0x8400;
	[sflag:s5] =	ssyncadd.s32 $0xFFFFE000;
	s29 =	sadd.s32 s24, s8  }
0xbc: {  	[hbm4b:s29+s3] =	stream.linear.scatter [tilespmem:s7], [sflag:$0xB], $0x2000, $0x38;
	[tilespmem:$0x16400] =	vst v63  }
0xbd: {  	_ =	swait.ge [sflag:s22], $0x2000  }
0xbe: {  	[sflag:s22] =	ssyncset.done $0x0  }
0xbf: {  	s13 =	simm.s32 $0x10400;
	s9 =	sadd.s32 $0x680, s2;
	[sflag:s22] =	ssyncadd.s32 $0xFFFFE000  }
0xc0: {  	[tilespmem:s13], [sflag:$0x7] =	stream.indirect.gather [hbm4b:s4+s28], $0x40, s9, s28, $0xb8;
	[tilespmem:$0x16400] =	vst v63  }
0xc1: {  	_ =	swait.ge [sflag:s10], $0x2000  }
0xc2: {  	s5 =	rddreg [dreg:$0x4];
	[sflag:s10] =	ssyncset.done $0x0  }
0xc3: {  	s9 =	simm.s32 $0xA400;
	[sflag:s10] =	ssyncadd.s32 $0xFFFFE000;
	s29 =	sadd.s32 s24, s5  }
0xc4: {  	[hbm4b:s29+s3] =	stream.linear.scatter [tilespmem:s9], [sflag:$0xC], $0x2000, $0x38;
	[tilespmem:$0x16400] =	vst v63  }
0xc5: {  	_ =	swait.ge [sflag:s23], $0x2000  }
0xc6: {  	[sflag:s23] =	ssyncset.done $0x0  }
0xc7: {  	s8 =	sadd.s32 $0x700, s2;
	s5 =	simm.s32 $0x12400;
	[sflag:s23] =	ssyncadd.s32 $0xFFFFE000  }
0xc8: {  	[tilespmem:s5], [sflag:$0x8] =	stream.indirect.gather [hbm4b:s4+s28], $0x40, s8, s28, $0xb8;
	[tilespmem:$0x16400] =	vst v63  }
0xc9: {  	_ =	swait.ge [sflag:s12], $0x2000  }
0xca: {  	s8 =	rddreg [dreg:$0x3];
	[sflag:s12] =	ssyncset.done $0x0  }
0xcb: {  	[sflag:s12] =	ssyncadd.s32 $0xFFFFE000;
	s29 =	sadd.s32 s24, s8  }
0xcc: {  	[hbm4b:s29+s3] =	stream.linear.scatter [tilespmem:s31], [sflag:$0xD], $0x2000, $0x38;
	[tilespmem:$0x16400] =	vst v63  }
0xcd: {  	_ =	swait.ge [sflag:s6], $0x2000  }
0xce: {  	[sflag:s6] =	ssyncset.done $0x0  }
0xcf: {  	s8 =	simm.s32 $0x14400;
	s29 =	sadd.s32 $0x780, s2;
	[sflag:s6] =	ssyncadd.s32 $0xFFFFE000  }
0xd0: {  	[tilespmem:s8], [sflag:$0x9] =	stream.indirect.gather [hbm4b:s4+s28], $0x40, s29, s28, $0xb8;
	[tilespmem:$0x16400] =	vst v63  }
0xd1: {  	_ =	swait.ge [sflag:s14], $0x2000  }
0xd2: {  	s29 =	rddreg [dreg:$0x9];
	[sflag:s14] =	ssyncset.done $0x0  }
0xd3: {  	[sflag:s14] =	ssyncadd.s32 $0xFFFFE000;
	s29 =	sadd.s32 s24, s29  }
0xd4: {  	[hbm4b:s29+s3] =	stream.linear.scatter [tilespmem:s11], [sflag:$0xE], $0x2000, $0x38;
	[tilespmem:$0x16400] =	vst v63  }
0xd5: {  	_ =	swait.ge [sflag:s15], $0x2000  }
0xd6: {  	[sflag:s15] =	ssyncset.done $0x0  }
0xd7: {  	s11 =	sadd.s32 $0x800, s2;
	[sflag:s15] =	ssyncadd.s32 $0xFFFFE000  }
0xd8: {  	[tilespmem:s0], [sflag:$0x2] =	stream.indirect.gather [hbm4b:s4+s28], $0x40, s11, s28, $0xb8;
	[tilespmem:$0x16400] =	vst v63  }
0xd9: {  	_ =	swait.ge [sflag:s16], $0x2000  }
0xda: {  	s11 =	rddreg [dreg:$0x8];
	[sflag:s16] =	ssyncset.done $0x0  }
0xdb: {  	[sflag:s16] =	ssyncadd.s32 $0xFFFFE000;
	s29 =	sadd.s32 s24, s11  }
0xdc: {  	[hbm4b:s29+s3] =	stream.linear.scatter [tilespmem:s13], [sflag:$0xF], $0x2000, $0x38;
	[tilespmem:$0x16400] =	vst v63  }
0xdd: {  	_ =	swait.ge [sflag:s17], $0x2000  }
0xde: {  	[sflag:s17] =	ssyncset.done $0x0  }
0xdf: {  	s13 =	sadd.s32 $0x880, s2;
	[sflag:s17] =	ssyncadd.s32 $0xFFFFE000  }
0xe0: {  	[tilespmem:s7], [sflag:$0x3] =	stream.indirect.gather [hbm4b:s4+s28], $0x40, s13, s28, $0xb8;
	[tilespmem:$0x16400] =	vst v63  }
0xe1: {  	_ =	swait.ge [sflag:s18], $0x2000  }
0xe2: {  	s7 =	rddreg [dreg:$0x7];
	[sflag:s18] =	ssyncset.done $0x0  }
0xe3: {  	[sflag:s18] =	ssyncadd.s32 $0xFFFFE000;
	s29 =	sadd.s32 s24, s7  }
0xe4: {  	[hbm4b:s29+s3] =	stream.linear.scatter [tilespmem:s5], [sflag:$0x10], $0x2000, $0x38;
	[tilespmem:$0x16400] =	vst v63  }
0xe5: {  	_ =	swait.ge [sflag:s19], $0x2000  }
0xe6: {  	[sflag:s19] =	ssyncset.done $0x0  }
0xe7: {  	s11 =	sadd.s32 $0x900, s2;
	[sflag:s19] =	ssyncadd.s32 $0xFFFFE000  }
0xe8: {  	[tilespmem:s9], [sflag:$0x4] =	stream.indirect.gather [hbm4b:s4+s28], $0x40, s11, s28, $0xb8;
	[tilespmem:$0x16400] =	vst v63  }
0xe9: {  	p0 =	sne.s32 s1, $0x16000;
	_ =	swait.ge [sflag:s20], $0x2000  }
0xea: {  	s1 =	sadd.s32 $0x1000, s1;
	s13 =	rddreg [dreg:$0x6];
	[sflag:s20] =	ssyncset.done $0x0  }
.Ltmp0:
0xeb: {  	[sflag:s20] =	ssyncadd.s32 $0xFFFFE000;
	s29 =	sadd.s32 s24, s13;
	(pc) =	sbr.rel @p0 .LBB2_2-.Ltmp0, $4  }
0xec: {  	[hbm4b:s29+s3] =	stream.linear.scatter [tilespmem:s8], [sflag:$0x11], $0x2000, $0x38;
	[tilespmem:$0x16400] =	vst v63  }
0xed: {  	s25 =	sadd.s32 $0x10000, s25;
	s31 =	simm.s32 $0x6400;
	_ =	swait.ge [sflag:s26], $0x2000  }
0xee: {  	s0 =	simm.s32 $0x8400;
	s2 =	sadd.s32 $0x980, s2;
	[sflag:s26] =	ssyncset.done $0x0  }
0xef: {  	s7 =	simm.s32 $0xA400;
	s24 =	sadd.s32 $0x2000, s24;
	[sflag:s26] =	ssyncadd.s32 $0xFFFFE000  }
0xf0: {  	s9 =	simm.s32 $0xC400;
	s1 =	simm.s32 $0x2  }
0xf1: {  	[tilespmem:s9], [sflag:$0x5] =	stream.indirect.gather [hbm4b:s4+s28], $0x40, s2, s28, $0xb8;
	[tilespmem:$0x16400] =	vst v63  }
0xf2: {  	_ =	swait.ge [sflag:s1], $0x2000  }
0xf3: {  	[sflag:s1] =	ssyncset.done $0x0  }
0xf4: {  	s5 =	rddreg [dreg:$0x14];
	[sflag:s1] =	ssyncadd.s32 $0xFFFFE000  }
0xf5: {  	[hbm4b:s5+s3] =	stream.linear.scatter [tilespmem:s31], [sflag:$0xA], $0x2000, $0x38;
	[tilespmem:$0x16400] =	vst v63  }
0xf6: {  	_ =	swait.ge [sflag:s21], $0x2000  }
0xf7: {  	s8 =	simm.s32 $0x6200;
	[sflag:s21] =	ssyncset.done $0x0  }
0xf8: {  	s11 =	simm.s32 $0x3;
	s2 =	simm.s32 $0xE400;
	[sflag:s21] =	ssyncadd.s32 $0xFFFFE000  }
0xf9: {  	[tilespmem:s2], [sflag:$0x6] =	stream.indirect.gather [hbm4b:s4+s28], $0x40, s8, s28, $0xb8;
	[tilespmem:$0x16400] =	vst v63  }
0xfa: {  	_ =	swait.ge [sflag:s11], $0x2000  }
0xfb: {  	[sflag:s11] =	ssyncset.done $0x0  }
0xfc: {  	s13 =	rddreg [dreg:$0x15];
	[sflag:s11] =	ssyncadd.s32 $0xFFFFE000  }
0xfd: {  	[hbm4b:s13+s3] =	stream.linear.scatter [tilespmem:s0], [sflag:$0xB], $0x2000, $0x38;
	[tilespmem:$0x16400] =	vst v63  }
0xfe: {  	_ =	swait.ge [sflag:s22], $0x2000  }
0xff: {  	[sflag:s22] =	ssyncset.done $0x0  }
0x100: {  	s24 =	simm.s32 $0x10400;
	s25 =	simm.s32 $0x6280;
	[sflag:s22] =	ssyncadd.s32 $0xFFFFE000  }
0x101: {  	[tilespmem:s24], [sflag:$0x7] =	stream.indirect.gather [hbm4b:s4+s28], $0x40, s25, s28, $0xb8;
	[tilespmem:$0x16400] =	vst v63  }
0x102: {  	_ =	swait.ge [sflag:s10], $0x2000  }
0x103: {  	[sflag:s10] =	ssyncset.done $0x0  }
0x104: {  	s29 =	rddreg [dreg:$0x16];
	[sflag:s10] =	ssyncadd.s32 $0xFFFFE000  }
0x105: {  	[hbm4b:s29+s3] =	stream.linear.scatter [tilespmem:s7], [sflag:$0xC], $0x2000, $0x38;
	[tilespmem:$0x16400] =	vst v63  }
0x106: {  	_ =	swait.ge [sflag:s23], $0x2000  }
0x107: {  	[sflag:s23] =	ssyncset.done $0x0  }
0x108: {  	s5 =	simm.s32 $0x12400;
	s31 =	simm.s32 $0x6300;
	[sflag:s23] =	ssyncadd.s32 $0xFFFFE000  }
0x109: {  	[tilespmem:s5], [sflag:$0x8] =	stream.indirect.gather [hbm4b:s4+s28], $0x40, s31, s28, $0xb8;
	[tilespmem:$0x16400] =	vst v63  }
0x10a: {  	_ =	swait.ge [sflag:s12], $0x2000  }
0x10b: {  	[sflag:s12] =	ssyncset.done $0x0  }
0x10c: {  	s7 =	rddreg [dreg:$0x17];
	[sflag:s12] =	ssyncadd.s32 $0xFFFFE000  }
0x10d: {  	[hbm4b:s7+s3] =	stream.linear.scatter [tilespmem:s9], [sflag:$0xD], $0x2000, $0x38;
	[tilespmem:$0x16400] =	vst v63  }
0x10e: {  	_ =	swait.ge [sflag:s6], $0x2000  }
0x10f: {  	[sflag:s6] =	ssyncset.done $0x0  }
0x110: {  	s8 =	simm.s32 $0x14400;
	s9 =	simm.s32 $0x6380;
	[sflag:s6] =	ssyncadd.s32 $0xFFFFE000  }
0x111: {  	[tilespmem:s8], [sflag:$0x9] =	stream.indirect.gather [hbm4b:s4+s28], $0x40, s9, s28, $0xb8;
	[tilespmem:$0x16400] =	vst v63  }
0x112: {  	_ =	swait.ge [sflag:s14], $0x2000  }
0x113: {  	[sflag:s14] =	ssyncset.done $0x0  }
0x114: {  	s11 =	rddreg [dreg:$0x18];
	[sflag:s14] =	ssyncadd.s32 $0xFFFFE000  }
0x115: {  	[hbm4b:s11+s3] =	stream.linear.scatter [tilespmem:s2], [sflag:$0xE], $0x2000, $0x38;
	[tilespmem:$0x16400] =	vst v63  }
0x116: {  	_ =	swait.ge [sflag:s16], $0x2000  }
0x117: {  	[sflag:s16] =	ssyncset.done $0x0  }
0x118: {  	s13 =	rddreg [dreg:$0x19];
	[sflag:s16] =	ssyncadd.s32 $0xFFFFE000  }
0x119: {  	[hbm4b:s13+s3] =	stream.linear.scatter [tilespmem:s24], [sflag:$0xF], $0x2000, $0x38;
	[tilespmem:$0x16400] =	vst v63  }
0x11a: {  	_ =	swait.ge [sflag:s18], $0x2000  }
0x11b: {  	[sflag:s18] =	ssyncset.done $0x0  }
0x11c: {  	s24 =	rddreg [dreg:$0x1a];
	[sflag:s18] =	ssyncadd.s32 $0xFFFFE000  }
0x11d: {  	[hbm4b:s24+s3] =	stream.linear.scatter [tilespmem:s5], [sflag:$0x10], $0x2000, $0x38;
	[tilespmem:$0x16400] =	vst v63  }
0x11e: {  	_ =	swait.ge [sflag:s20], $0x2000  }
0x11f: {  	[sflag:s20] =	ssyncset.done $0x0  }
0x120: {  	s25 =	rddreg [dreg:$0x1b];
	[sflag:s20] =	ssyncadd.s32 $0xFFFFE000  }
0x121: {  	[hbm4b:s25+s3] =	stream.linear.scatter [tilespmem:s8], [sflag:$0x11], $0x2000, $0x38;
	[tilespmem:$0x16400] =	vst v63  }
0x122: {  	_ =	swait.ge [sflag:s15], $0x2000  }
0x123: {  	[sflag:s15] =	ssyncset.done $0x0  }
0x124: {  	[sflag:s15] =	ssyncadd.s32 $0xFFFFE000  }
0x125: {  	_ =	swait.ge [sflag:s17], $0x2000  }
0x126: {  	[sflag:s17] =	ssyncset.done $0x0  }
0x127: {  	[sflag:s17] =	ssyncadd.s32 $0xFFFFE000  }
0x128: {  	_ =	swait.ge [sflag:s19], $0x2000  }
0x129: {  	[sflag:s19] =	ssyncset.done $0x0  }
0x12a: {  	[sflag:s19] =	ssyncadd.s32 $0xFFFFE000  }
0x12b: {  	_ =	swait.ge [sflag:s26], $0x2000  }
0x12c: {  	[sflag:s26] =	ssyncset.done $0x0  }
0x12d: {  	[sflag:s26] =	ssyncadd.s32 $0xFFFFE000  }
0x12e: {  	_ =	swait.ge [sflag:s21], $0x2000  }
0x12f: {  	[sflag:s21] =	ssyncset.done $0x0  }
0x130: {  	[sflag:s21] =	ssyncadd.s32 $0xFFFFE000  }
0x131: {  	_ =	swait.ge [sflag:s22], $0x2000  }
0x132: {  	[sflag:s22] =	ssyncset.done $0x0  }
0x133: {  	[sflag:s22] =	ssyncadd.s32 $0xFFFFE000  }
0x134: {  	_ =	swait.ge [sflag:s23], $0x2000  }
0x135: {  	[sflag:s23] =	ssyncset.done $0x0  }
0x136: {  	[sflag:s23] =	ssyncadd.s32 $0xFFFFE000  }
0x137: {  	_ =	swait.ge [sflag:s6], $0x2000  }
0x138: {  	s29 =	rddreg [dreg:$0x1e]  }
0x139: {  	s31 =	rddreg [dreg:$0x1c];
	s0 =	sadd.s32 $0x1, s29  }
0x13a: {  	p0 =	sne.s32 s0, s31  }
.Ltmp1:
0x13b: {  	_ = 	snop;
	(pc) =	sbr.rel @p0 .LBB2_1-.Ltmp1, $3  }
0x13c: {  	_ =	sdelay $0x1  }
0x13d: {  	[sflag:s6] =	ssyncset.done $0x0  }
0x13e: {  	s24 =	smov.u32 s30;
	[sflag:s6] =	ssyncadd.s32 $0xFFFFE000  }
0x13f: {  	_ =	sfence.sel $0x180000  }
0x140: {  	[bflag:$0x0] =	sbarrier.arrive $0xFFFF  }
0x141: {  	_ =	strace $0x90000047  }
0x142: {  	s0 =	stileid.u32;
	[bflag:$0x2] =	sbarrier.arrive $0xFFFF  }
0x143: {  	p0 =	sne.s32 s0, $0x0;
	s0 =	rddreg [dreg:$0x2]  }
0x144: {  	s0 =	sadd.s32 @!p0 $0x100000, s0  }
0x145: {  	[sflag:s0] =	ssyncadd.tile.s32 @!p0 $0x1;
	_ =	shalt  }
.Lfunc_end2:
_tile_overlayer_lowered:
.L_overlay_start_2:
0x146: {  	(tag) =	ssettag $0x2  }
0x147: {  	s0 =	rddreg [dreg:$0x0];
	s2 =	stileid.u32  }
0x148: {  	s1 =	rddreg [dreg:$0x1];
	p0 =	sne.s32 s2, $0x0  }
0x149: {  	s3 =	rddreg [dreg:$0x2];
	[bflag:$0x3] =	sbarrier.arrive $0xFFFF;
	s2 =	simm.s32 @!p0 $0x1C12  }
0x14a: {  	[timem:s3], [sflag:s2] =	dma.local @!p0 [hbm:s0], s1  }
0x14b: {  	s0 =	simm.s32 @!p0 $0x12  }
0x14c: {  	_ =	swait.ge @!p0 [sflag:s0], s1  }
0x14d: {  	s1 =	ssub.s32 @!p0 $0x0, s1;
	[sflag:s0] =	ssyncset.done @!p0 $0x0  }
0x14e: {  	[sflag:s0] =	ssyncadd.s32 @!p0 s1  }
0x14f: {  	[bflag:$0x3] =	sbarrier.arrive $0xFFFF  }
0x150: {  	_ =	shalt  }

// kernel: sparse-core-data-format-call.cloned.1.call-start
scs
called_computation_lowered:
.L_overlay_start_0:
0x0: {  	s2 =	sld [smem:$0x3FD9]  }
0x1: {  	s3 =	sld [smem:$0x3FFE];
	_ =	sdelay $0x1  }
0x2: {  	s1 =	srdreg.scid  }
0x3: {  	s0 =	sand.u32 $0x1, s1  }
0x4: {  	s18 =	sshll.u32 s0, $0xA;
	s2 =	sadd.s32 s3, s2  }
0x5: {  	s2 =	sadd.s32 s2, s18  }
0x6: {  	[smem:$0x3FC6] =	sst s2  }
0x7: {  	_ = 	snop  }
0x8: {  	s2 =	sld [smem:$0x3FD0];
	(tm) =	ssettm $0x1  }
0x9: {  	s19 =	sld [smem:$0x3FFB];
	_ =	sdelay $0x3  }
0xa: {  	_ =	strace s19  }
0xb: {  	s3 =	sld [smem:$0x3FFC];
	_ =	sdelay $0x3  }
0xc: {  	_ =	strace s3  }
0xd: {  	s3 =	sld [smem:$0x3FFD];
	_ =	sdelay $0x3  }
0xe: {  	_ =	strace s3  }
0xf: {  	_ =	strace $0x8FFFFFFF  }
0x10: {  	s20 =	sld [smem:$0x3FDB];
	_ =	sdelay $0x1  }
0x11: {  	s4 =	simm.s32 $_scs_section_size  }
0x12: {  	s5 =	simm.s32 $_size__tile_overlayer_lowered;
	s6 =	simm.s32 $_tile_overlayer_lowered  }
0x13: {  	s23 =	simm.s32 $0x1BFF;
	s22 =	sshll.u32 s6, $0x1;
	s3 =	sadd.s32 s4, s20  }
0x14: {  	s7 =	simm.s32 $0x0;
	s21 =	sshll.u32 s5, $0x1;
	s5 =	sadd.s32 s22, s3  }
0x15: {  	[timem:s7], [sflag:s23] =	dma.local [hbm:s5], s21  }
0x16: {  	_ =	swait.ge [sflag:s23], s21  }
0x17: {  	s4 =	ssub.s32 $0x0, s21;
	[sflag:s23] =	ssyncset.done $0x0  }
0x18: {  	[sflag:s23] =	ssyncadd.s32 s4;
	_ =	sdelay $0x1  }
0x19: {  	s24 =	simm.s32 $0x1B8B  }
0x1a: {  	_ =	swait.ge [sflag:s24], $0x1  }
0x1b: {  	[sflag:s24] =	ssyncset.done $0x0  }
0x1c: {  	s26 =	simm.s32 $0x1B8E;
	s25 =	sld [smem:$0x3FFE];
	[sflag:s24] =	ssyncadd.s32 $0xFFFFFFFF  }
0x1d: {  	s27 =	simm.s32 $execute0_lowered;
	[smem:$0x3FD2] =	sst s26  }
0x1e: {  	s5 =	sshll.u32 s27, $0x1;
	_ =	strace $0x80000049;
	[dreg:$0x1] =	wrdreg $0xFFFFFFFF  }
0x1f: {  	s28 =	simm.s32 $_size_execute0_lowered;
	s3 =	sadd.s32 s3, s5;
	[dreg:$0x0] =	wrdreg $0x0  }
0x20: {  	s5 =	sshll.u32 s28, $0x1;
	[dreg:$0x2] =	wrdreg s3  }
0x21: {  	[dreg:$0x3] =	wrdreg s5  }
0x22: {  	[dreg:$0x4] =	wrdreg $0xC0  }
0x23: {  	_ =	task [dreg:s7], $0x5FFFF  }
0x24: {  	[dreg:$0x1] =	wrdreg $0xFFFFFFFF  }
0x25: {  	[dreg:$0x0] =	wrdreg $0x60  }
0x26: {  	[dreg:$0x2] =	wrdreg s25  }
0x27: {  	[dreg:$0x3] =	wrdreg s2  }
0x28: {  	[dreg:$0x4] =	wrdreg $0x9  }
0x29: {  	_ =	task.clear_ibuf [dreg:s7], $0x5FFFF;
	_ =	strace $0x90000049  }
0x2a: {  	s29 =	simm.s32 $0x9;
	_ =	strace $0x8000004B  }
0x2b: {  	_ =	swait.ge [sflag:s29], $0x1  }
0x2c: {  	[sflag:s29] =	ssyncadd.s32 $0xFFFFFFFF  }
0x2d: {  	_ =	strace $0x9000004B  }
0x2e: {  	_ =	sfence  }
0x2f: {  	s30 =	sld [smem:$0x0];
	_ =	sdelay $0x2  }
0x30: {  	s31 =	sshll.u32 s1, $0xD;
	s1 =	sshrl.u32 s1, $0x2  }
0x31: {  	s3 =	sand.u32 $0x4000, s31;
	s1 =	sadd.s32 s1, s30  }
0x32: {  	s0 =	sor.u32 s3, s0;
	s1 =	sshll.u32 s1, $0x11  }
0x33: {  	s0 =	sor.u32 s1, s0  }
0x34: {  	s0 =	sadd.s32 $0x8F2B, s0  }
0x35: {  	[sflag:s0] =	ssyncadd.remote.s32 $0x1  }
0x36: {  	_ =	sfence.sel $0xFFFF  }
0x37: {  	[dreg:$0x0] =	wrdreg $0xFFFFFFFF;
	(pc) =	sbr.abs _section_cstart, $3  }
0x38: {  	[dreg:$0x1] =	wrdreg $0xFFFFFFFF  }
0x39: {  	_ =	task.clear_ibuf [dreg:s7], $0x2FFFF;
	_ =	strace $0x9FFFFFFF  }
0x3a: {  	(tm) =	ssettm $0x7FFFFFFF  }
0x3b: {  	_ =	shalt  }
tec
execute0_lowered:
.L_overlay_start_1:
0x0: {  	(tag) =	ssettag $0x1  }
0x1: {  	s0 =	srdreg.scid  }
0x2: {  	s1 =	sshll.u32 s0, $0x4  }
0x3: {  	s0 =	stileid.u32;
	s1 =	sand.u32 $0x10, s1  }
0x4: {  	s1 =	sor.u32 s0, s1  }
0x5: {  	s6 =	rddreg [dreg:$0x0];
	s4 =	simm.s32 $0x1;
	s2 =	sshll.u32 s1, $0x7  }
0x6: {  	s7 =	simm.s32 $0x2;
	s12 =	simm.s32 $0x0;
	s1 =	ssub.s32 $0x1000, s2  }
0x7: {  	s8 =	simm.s32 $0x8000;
	s13 =	simm.s32 $0x0;
	s3 =	sand.u32 $0xF80, s1  }
0x8: {  	s9 =	simm.s32 $0x0;
	s5 =	sshrl.u32 s1, $0xC;
	p0 =	sne.s32 s3, $0x0  }
.Ltmp0:
0x9: {  	s1 =	rddreg [dreg:$0x2];
	s4 =	simm.s32 @!p0 $0x0;
	(pc) =	sbr.rel .LBB1_1-.Ltmp0, $4  }
0xa: {  	s11 =	simm.s32 $0x0;
	s3 =	rddreg [dreg:$0x1];
	s5 =	sadd.s32 s4, s5  }
0xb: {  	_ =	strace $0x8000004A;
	s4 =	simm.s32 $0x1;
	s5 =	smul.u32 $0xC8, s5  }
0xc: {  	s6 =	sadd.s32 $0x800, s6;
	s10 =	smov.u32 s2;
	[sflag:s4] =	ssyncpa.u1 $0x0  }
0xd: {  	p0 =	por $0x0, $0x0;
	[sflag:s7] =	ssyncpa.u1 $0x0;
	s7 =	sor.u32 $0x1, s5  }
.LBB1_4:
0xe: {  	s16 =	sshll.u32 s13, $0x3;
	s17 =	sand.u32 $0x78, s13  }
0xf: {  	s30 =	sand.u32 $0x7E00, s13;
	s12 =	sshll.u32 s12, $0xF;
	s16 =	sand.u32 $0xC00, s16  }
0x10: {  	[tilespmem:s15+$0x810 ss:$0x81] =	vst.msk $0xffff, v2;
	s31 =	sand.u32 $0x7, s13;
	s16 =	sor.u32 s17, s16;
	s17 =	sadd.s32 s3, s30  }
0x11: {  	[tilespmem:s15+$0x1020 ss:$0x81] =	vst.msk $0xffff, v0;
	s13 =	sshll.u32 s31, $0x12;
	s12 =	sadd.s32 s12, s17;
	s16 =	sshrl.u32 s16, $0x3  }
0x12: {  	[tilespmem:s15+$0x0 ss:$0x81] =	vst.msk $0xffff, v1;
	s13 =	sor.u32 $0x400, s13;
	s12 =	sadd.s32 s16, s12  }
0x13: {  	[hbm4b:s12+s13] =	stream.strided.scatter [tilespmem:s14], [sflag:$0x2], $0x2000, s8, s13, $0x20;
	[tilespmem:$0x8080] =	vst v63  }
.LBB1_5:
0x14: {  	s14 =	sadd.s32 $0x1, s9  }
0x15: {  	s12 =	sadd.s32 $0x1000, s10;
	s16 =	smov.u32 s10;
	p2 =	sgt.s32 s14, $0xC7  }
0x16: {  	s16 =	smov.u32 @p2 s12  }
0x17: {  	s14 =	simm.s32 @p2 $0x0;
	p2 =	sgt.s32 s16, $0xFFF  }
0x18: {  	s16 =	smov.u32 @p2 s2;
	p2 =	sne.s32 s11, s7  }
.Ltmp1:
0x19: {  	p1 =	slt.u32 s11, $0x2;
	(pc) =	sbr.rel @!p2 .LBB1_6-.Ltmp1, $4  }
0x1a: {  	s15 =	simm.s32 @!p1 $0x2  }
0x1b: {  	s13 =	smov.u32 s10;
	p0 =	por !p0, !p0;
	_ =	swait.ge @!p1 [sflag:s15], $0x2000  }
0x1c: {  	s12 =	smov.u32 s9;
	[sflag:s15] =	ssyncset.done @!p1 $0x0;
	s9 =	smov.u32 s14  }
0x1d: {  	s11 =	sadd.s32 $0x1, s11;
	[sflag:s15] =	ssyncadd.s32 @!p1 $0xFFFFE000;
	s10 =	smov.u32 s16  }
.LBB1_1:
0x1e: {  	p1 =	sge.u32 s11, s5  }
0x1f: {  	s14 =	sand.u32 @!p1 $0x1FFFFFF, s9  }
0x20: {  	s15 =	smulhi.u32 @!p1 $0x147AE15, s14;
	_ =	sdelay $0x1  }
0x21: {  	s15 =	smul.u32 @!p1 $0xC8, s15  }
0x22: {  	s16 =	sxor.u32 @!p1 $0xFFFFFFFF, s11;
	s17 =	smul.u32 @!p1 $0xC80, s10  }
0x23: {  	s31 =	sadd.s32 $0xFFFFFFFF, s11;
	s16 =	sshll.u32 @!p1 s16, $0xD;
	s14 =	ssub.s32 @!p1 s14, s15  }
0x24: {  	s15 =	sand.u32 @!p1 $0x2000, s16;
	s16 =	sadd.s32 @!p1 s6, s17;
	s14 =	sshll.u32 @!p1 s14, $0x4  }
0x25: {  	s17 =	simm.s32 @!p1 $0x6400;
	s14 =	sadd.s32 @!p1 s14, s16;
	s16 =	simm.s32 @!p1 $0x40  }
0x26: {  	[tilespmem:s15], [sflag:$0x1] =	stream.strided.gather @!p1 [hbm4b:s14+s16], $0x2000, s17, s16, $0x38;
	[tilespmem:$0x8080] =	vst v63  }
0x27: {  	p1 =	sge.u32 s31, s5  }
.Ltmp2:
0x28: {  	_ = 	snop;
	(pc) =	sbr.rel @p1 .LBB1_5-.Ltmp2, $1  }
0x29: {  	_ =	sdelay $0x3  }
0x2a: {  	s14 =	simm.s32 $0x1  }
0x2b: {  	_ =	swait.ge [sflag:s4], $0x2000;
	s14 =	simm.s32 @!p0 $0x0  }
0x2c: {  	[sflag:s4] =	ssyncset.done $0x0;
	s15 =	sshll.u32 s14, $0xD  }
0x2d: {  	[sflag:s4] =	ssyncadd.s32 $0xFFFFE000;
	s18 =	sor.u32 $0x20, s15  }
0x2e: {  	s14 =	smul.u32 $0x8100, s14;
	v3 =	vld [tilespmem:s18+$0x10]  }
0x2f: {  	s30 =	sand.u32 $0x1, s11;
	v2 =	vld [tilespmem:s18+$0xFFFFFFF0]  }
0x30: {  	s15 =	smul.u32 $0x8100, s30;
	s14 =	sshrl.u32 s14, $0x2;
	v0 =	vld [tilespmem:s18+$0x0]  }
0x31: {  	v1 =	vld [tilespmem:s18+$0xFFFFFFE0];
	s16 =	sor.u32 $0x4000, s14  }
0x32: {  	s31 =	sshrl.u32 s15, $0x2;
	s15 =	sadd.s32 $0x0, s16  }
0x33: {  	s17 =	simm.s32 $0x4;
	s18 =	sadd.s32 $0x40, s18;
	s14 =	sor.u32 $0x4000, s31;
	[tilespmem:s15+$0x1830 ss:$0x81] =	vst.msk $0xffff, v3  }
.LBB1_3:
0x34: {  	v3 =	vld [tilespmem:s18+$0x10];
	p1 =	sne.s32 s17, $0x1FC;
	[tilespmem:s15+$0x810 ss:$0x81] =	vst.msk $0xffff, v2;
	s19 =	smov.u32 s17;
	s17 =	sadd.s32 $0x4, s17  }
.Ltmp3:
0x35: {  	v2 =	vld [tilespmem:s18+$0xFFFFFFF0];
	[tilespmem:s15+$0x1020 ss:$0x81] =	vst.msk $0xffff, v0;
	(pc) =	sbr.rel @p1 .LBB1_3-.Ltmp3, $4  }
0x36: {  	v0 =	vld [tilespmem:s18+$0x0];
	[tilespmem:s15+$0x0 ss:$0x81] =	vst.msk $0xffff, v1  }
0x37: {  	s15 =	sshra.s32 s19, $0x2;
	v1 =	vld [tilespmem:s18+$0xFFFFFFE0]  }
0x38: {  	s15 =	sadd.s32 s15, s16  }
0x39: {  	s18 =	sadd.s32 $0x40, s18;
	[tilespmem:s15+$0x1830 ss:$0x81] =	vst.msk $0xffff, v3  }
.Ltmp4:
0x3a: {  	_ = 	snop;
	(pc) =	sbr.rel .LBB1_4-.Ltmp4, $1  }
0x3b: {  	_ =	sdelay $0x3  }
.LBB1_6:
0x3c: {  	_ =	sfence.sel $0x180000  }
0x3d: {  	s2 =	simm.s32 $0x1;
	[bflag:$0x0] =	sbarrier.arrive $0xFFFF  }
0x3e: {  	s31 =	simm.s32 $0x2;
	[sflag:s2] =	ssyncpa.u1 $0x1  }
0x3f: {  	[sflag:s31] =	ssyncpa.u1 $0x1  }
0x40: {  	p0 =	sne.s32 s0, $0x0;
	_ =	strace $0x9000004A  }
0x41: {  	s0 =	sadd.s32 @!p0 $0x100000, s1;
	[bflag:$0x2] =	sbarrier.arrive $0xFFFF  }
0x42: {  	[sflag:s0] =	ssyncadd.tile.s32 @!p0 $0x1;
	_ =	shalt  }
.Lfunc_end1:
_tile_overlayer_lowered:
.L_overlay_start_2:
0x43: {  	(tag) =	ssettag $0x2  }
0x44: {  	s0 =	rddreg [dreg:$0x0];
	s2 =	stileid.u32  }
0x45: {  	s1 =	rddreg [dreg:$0x1];
	p0 =	sne.s32 s2, $0x0  }
0x46: {  	s3 =	rddreg [dreg:$0x2];
	[bflag:$0x3] =	sbarrier.arrive $0xFFFF;
	s2 =	simm.s32 @!p0 $0x1C01  }
0x47: {  	[timem:s3], [sflag:s2] =	dma.local @!p0 [hbm:s0], s1  }
0x48: {  	s0 =	simm.s32 @!p0 $0x1  }
0x49: {  	_ =	swait.ge @!p0 [sflag:s0], s1  }
0x4a: {  	s1 =	ssub.s32 @!p0 $0x0, s1;
	[sflag:s0] =	ssyncset.done @!p0 $0x0  }
0x4b: {  	[sflag:s0] =	ssyncadd.s32 @!p0 s1  }
0x4c: {  	[bflag:$0x3] =	sbarrier.arrive $0xFFFF  }
0x4d: {  	_ =	shalt  }

</sc_bundles>
